<compile_context>
chip_gen: v7x
topology: tpu7x:2x2x1
jax: 0.10.2.dev20260603
libtpu: 0.0.44.dev20260713+nightly
codegen_flags: <defaults>
</compile_context>

<pallas_src>
import functools
import jax
import jax.numpy as jnp
from jax import lax
from jax.experimental import pallas as pl
from jax.experimental.pallas import tpu as pltpu
from jax.experimental.pallas import tpu_sc as plsc

NC, NS = 2, 16
KW = 125


def _sc_mesh():
    return plsc.VectorSubcoreMesh(
        core_axis_name="c", subcore_axis_name="s",
        num_cores=NC, num_subcores=NS)


def _sc_degree(dst3, zeros_hbm, n, d):
    rpt = dst3.shape[1]
    seg = n // NS

    @functools.partial(
        pl.kernel,
        out_type=jax.ShapeDtypeStruct((NC, NS, seg, d), jnp.float32),
        mesh=_sc_mesh(),
        scratch_types=[
            pltpu.VMEM((rpt // 2, KW), jnp.int32),
            pltpu.VMEM((KW, d), jnp.float32),
            pltpu.VMEM_SHARED((n, d), jnp.float32),
        ],
    )
    def deg_kernel(dst_hbm, zeros_h, out_hbm, idx_v, ones_v, acc):
        cid = lax.axis_index("c")
        sid = lax.axis_index("s")
        wid = cid * NS + sid
        half = rpt // 2
        pltpu.sync_copy(zeros_h, acc.at[pl.ds(sid * seg, seg)])

        @pl.loop(0, KW)
        def _(r):
            for c8 in range(d // 16):
                ones_v[r, pl.ds(c8 * 16, 16)] = jnp.full((16,), 1.0,
                                                         jnp.float32)

        plsc.subcore_barrier()

        for h in range(2):
            pltpu.sync_copy(dst_hbm.at[wid, pl.ds(h * half, half)], idx_v)

            @pl.loop(0, half)
            def _(j):
                pltpu.sync_copy(ones_v, acc.at[idx_v.at[j]], add=True)

        plsc.subcore_barrier()
        pltpu.sync_copy(acc.at[pl.ds(sid * seg, seg)],
                        out_hbm.at[cid, sid])

    return deg_kernel(dst3, zeros_hbm).reshape(NC, n, d)


def _sc_scatter(hs, src3, dst3, zeros_hbm, n, d):
    rpt = src3.shape[1]
    seg = n // NS

    @functools.partial(
        pl.kernel,
        out_type=jax.ShapeDtypeStruct((NC, NS, seg, d), jnp.float32),
        mesh=_sc_mesh(),
        scratch_types=[
            pltpu.VMEM((rpt // 2, KW), jnp.int32),
            pltpu.VMEM((rpt // 2, KW), jnp.int32),
            pltpu.VMEM((KW, d), jnp.float32),
            pltpu.VMEM((KW, d), jnp.float32),
            pltpu.VMEM_SHARED((n, d), jnp.float32),
            pltpu.SemaphoreType.DMA,
            pltpu.SemaphoreType.DMA,
        ],
    )
    def scat_kernel(hs_hbm, src_hbm, dst_hbm, z_hbm, out_hbm,
                    src_v, dst_v, rows_a, rows_b, acc, gs_a, gs_b):
        cid = lax.axis_index("c")
        sid = lax.axis_index("s")
        wid = cid * NS + sid
        half = rpt // 2
        pltpu.sync_copy(z_hbm, acc.at[pl.ds(sid * seg, seg)])
        plsc.subcore_barrier()

        for h in range(2):
            pltpu.sync_copy(src_hbm.at[wid, pl.ds(h * half, half)], src_v)
            pltpu.sync_copy(dst_hbm.at[wid, pl.ds(h * half, half)], dst_v)
            if half % 2 == 0:
                @pl.loop(0, half // 2)
                def _(i):
                    j0 = i * 2
                    ca = pltpu.async_copy(hs_hbm.at[src_v.at[j0]],
                                          rows_a, gs_a)
                    cb = pltpu.async_copy(hs_hbm.at[src_v.at[j0 + 1]],
                                          rows_b, gs_b)
                    ca.wait()
                    pltpu.sync_copy(rows_a, acc.at[dst_v.at[j0]], add=True)
                    cb.wait()
                    pltpu.sync_copy(rows_b, acc.at[dst_v.at[j0 + 1]],
                                    add=True)
            else:
                @pl.loop(0, half)
                def _(j):
                    pltpu.async_copy(hs_hbm.at[src_v.at[j]],
                                     rows_a, gs_a).wait()
                    pltpu.sync_copy(rows_a, acc.at[dst_v.at[j]], add=True)
        plsc.subcore_barrier()
        pltpu.sync_copy(acc.at[pl.ds(sid * seg, seg)],
                        out_hbm.at[cid, sid])

    return scat_kernel(hs, src3, dst3, zeros_hbm).reshape(NC, n, d)


def _tc_pre(degp, x, W1, n, d, bn):
    g = n // bn

    def body(deg_ref, x_ref, w_ref, hs_ref, dis_ref):
        deg = deg_ref[0, :, 0:1] + deg_ref[1, :, 0:1] + 1.0
        dis = lax.rsqrt(deg)
        h = jnp.dot(x_ref[...], w_ref[...],
                    preferred_element_type=jnp.float32)
        hs_ref[...] = h * dis
        dis_ref[...] = dis

    return pl.pallas_call(
        body,
        grid=(g,),
        in_specs=[
            pl.BlockSpec((NC, bn, d), lambda i: (0, i, 0)),
            pl.BlockSpec((bn, d), lambda i: (i, 0)),
            pl.BlockSpec((d, d), lambda i: (0, 0)),
        ],
        out_specs=[
            pl.BlockSpec((bn, d), lambda i: (i, 0)),
            pl.BlockSpec((bn, 1), lambda i: (i, 0)),
        ],
        out_shape=[
            jax.ShapeDtypeStruct((n, d), jnp.float32),
            jax.ShapeDtypeStruct((n, 1), jnp.float32),
        ],
    )(degp, x, W1)


def _tc_mid(part, hs1, dis, b1, xres, W2, n, d, bn):
    g = n // bn

    def body(p_ref, hs_ref, dis_ref, b_ref, xr_ref, w_ref, h1_ref, hs2_ref):
        s = p_ref[0] + p_ref[1] + hs_ref[...]
        h1 = jnp.maximum(s * dis_ref[...] + b_ref[...], 0.0) + xr_ref[...]
        h1_ref[...] = h1
        hs2_ref[...] = jnp.dot(h1, w_ref[...],
                               preferred_element_type=jnp.float32) * dis_ref[...]

    return pl.pallas_call(
        body,
        grid=(g,),
        in_specs=[
            pl.BlockSpec((NC, bn, d), lambda i: (0, i, 0)),
            pl.BlockSpec((bn, d), lambda i: (i, 0)),
            pl.BlockSpec((bn, 1), lambda i: (i, 0)),
            pl.BlockSpec((1, d), lambda i: (0, 0)),
            pl.BlockSpec((bn, d), lambda i: (i, 0)),
            pl.BlockSpec((d, d), lambda i: (0, 0)),
        ],
        out_specs=[
            pl.BlockSpec((bn, d), lambda i: (i, 0)),
            pl.BlockSpec((bn, d), lambda i: (i, 0)),
        ],
        out_shape=[
            jax.ShapeDtypeStruct((n, d), jnp.float32),
            jax.ShapeDtypeStruct((n, d), jnp.float32),
        ],
    )(part, hs1, dis, b1, xres, W2)


def _tc_post(part, hs2, dis, b2, hres, n, d, bn):
    g = n // bn

    def body(p_ref, hs_ref, dis_ref, b_ref, hr_ref, out_ref):
        s = p_ref[0] + p_ref[1] + hs_ref[...]
        out_ref[...] = jnp.maximum(
            s * dis_ref[...] + b_ref[...], 0.0) + hr_ref[...]

    return pl.pallas_call(
        body,
        grid=(g,),
        in_specs=[
            pl.BlockSpec((NC, bn, d), lambda i: (0, i, 0)),
            pl.BlockSpec((bn, d), lambda i: (i, 0)),
            pl.BlockSpec((bn, 1), lambda i: (i, 0)),
            pl.BlockSpec((1, d), lambda i: (0, 0)),
            pl.BlockSpec((bn, d), lambda i: (i, 0)),
        ],
        out_specs=pl.BlockSpec((bn, d), lambda i: (i, 0)),
        out_shape=jax.ShapeDtypeStruct((n, d), jnp.float32),
    )(part, hs2, dis, b2, hres)


def kernel(x, edge_index, edge_type, W1, b1, W2, b2):
    n, d = x.shape
    e = edge_index.shape[1]
    assert e % (NC * NS * KW) == 0 and n % NS == 0 and n % 8 == 0

    rpt = e // (NC * NS * KW)
    src3 = edge_index[0].astype(jnp.int32).reshape(NC * NS, rpt, KW)
    dst3 = edge_index[1].astype(jnp.int32).reshape(NC * NS, rpt, KW)

    seg = n // NS
    zeros_row = jnp.zeros((seg, d), jnp.float32)
    b1r = b1.reshape(1, d)
    b2r = b2.reshape(1, d)

    bn = 1000 if n % 1000 == 0 else seg

    degp = _sc_degree(dst3, zeros_row, n, d)
    hs1, dis = _tc_pre(degp, x, W1, n, d, bn)
    part1 = _sc_scatter(hs1, src3, dst3, zeros_row, n, d)
    h1, hs2 = _tc_mid(part1, hs1, dis, b1r, x, W2, n, d, bn)
    part2 = _sc_scatter(hs2, src3, dst3, zeros_row, n, d)
    h2 = _tc_post(part2, hs2, dis, b2r, h1, n, d, bn)
    return h2

# --- scband reference (transcript-rebuilt; emitter-appended) ---
"""Pipeline reference for scband-gnn-45561013076581 (READ-ONLY COPY).

The authoritative reference and input builder live on the scoring server;
editing this copy changes nothing except your own understanding.
"""

import jax, jax.numpy as jnp
import numpy as np


def _gcn_layer(x, edge_index, W, b):
    N = x.shape[0]
    loop = jnp.arange(N, dtype=edge_index.dtype)
    src = jnp.concatenate([edge_index[0], loop])
    dst = jnp.concatenate([edge_index[1], loop])
    ones = jnp.ones(src.shape[0], dtype=x.dtype)
    deg = jax.ops.segment_sum(ones, dst, num_segments=N)
    dis = jnp.where(deg > 0, jax.lax.rsqrt(jnp.maximum(deg, 1e-12)), 0.0)
    norm = dis[src] * dis[dst]
    h = x @ W
    msg = h[src] * norm[:, None]
    out = jax.ops.segment_sum(msg, dst, num_segments=N)
    return out + b


def setup_inputs(seed: int = 0) -> dict:
    key = jax.random.key(seed)
    k1, k2, k3, k4, k5, k6, k7 = jax.random.split(key, 7)
    N, E, D, H = 10000, 320000, 128, 128
    x = jax.random.normal(k1, (N, D), dtype=jnp.float32)
    edge_index = jax.random.randint(k2, (2, E), 0, N, dtype=jnp.int64)
    edge_type = jax.random.randint(k3, (E,), 0, 1, dtype=jnp.int64)
    W1 = jax.random.normal(k4, (D, H), dtype=jnp.float32) * 0.05
    b1 = jnp.zeros((H,), dtype=jnp.float32)
    W2 = jax.random.normal(k5, (H, H), dtype=jnp.float32) * 0.05
    b2 = jnp.zeros((H,), dtype=jnp.float32)
    return {"x": x, "edge_index": edge_index, "edge_type": edge_type, "W1": W1, "b1": b1, "W2": W2, "b2": b2}


def reference(x, edge_index, edge_type, W1, b1, W2, b2):
    # layer 1 (GCNConv with self-loops + symmetric normalization)
    x_res = x
    h = _gcn_layer(x, edge_index, W1, b1)
    h = jax.nn.relu(h)
    # dropout p=0.0 -> identity; residual projection is Identity (input==hidden)
    h = h + x_res
    # norm is Identity
    # layer 2
    x_res2 = h
    h2 = _gcn_layer(h, edge_index, W2, b2)
    h2 = jax.nn.relu(h2)
    h2 = h2 + x_res2
    return h2

if __name__ == "__main__":
    import jax
    _d = setup_inputs()
    print(jax.jit(kernel)(*tuple(_d.values())))

</pallas_src>

<mosaic_0001>
#map = affine_map<(d0, d1) -> (0, 0)>
#map1 = affine_map<(d0, d1) -> (0, 0, 0)>
#map2 = affine_map<(d0, d1) -> (0, 0, 0, 0)>
module attributes {stable_mosaic.version = 14 : i64} {
  func.func @scat_kernel(%arg0: i32, %arg1: i32, %arg2: memref<10000x128xf32, #tpu.memory_space<hbm>>, %arg3: memref<32x80x125xi32, #tpu.memory_space<hbm>>, %arg4: memref<32x80x125xi32, #tpu.memory_space<hbm>>, %arg5: memref<625x128xf32, #tpu.memory_space<hbm>>, %arg6: memref<2x16x625x128xf32, #tpu.memory_space<hbm>>, %arg7: memref<40x125xi32, #tpu.memory_space<vmem>>, %arg8: memref<40x125xi32, #tpu.memory_space<vmem>>, %arg9: memref<125x128xf32, #tpu.memory_space<vmem>>, %arg10: memref<125x128xf32, #tpu.memory_space<vmem>>, %arg11: memref<10000x128xf32, #tpu.memory_space<vmem_shared>>, %arg12: memref<!tpu.dma_semaphore, #tpu.memory_space<semaphore_mem>>, %arg13: memref<!tpu.dma_semaphore, #tpu.memory_space<semaphore_mem>>) attributes {dimension_semantics = [#tpu.dimension_semantics<core_parallel>, #tpu.dimension_semantics<subcore_parallel>], iteration_bounds = array<i64: 2, 16>, scalar_prefetch = 0 : i64, scratch_operands = 7 : i64, tpu.core_type = #tpu.core_type<sc_vector_subcore>, window_params = [{transform_indices = #map}, {transform_indices = #map1}, {transform_indices = #map1}, {transform_indices = #map}, {transform_indices = #map2}]} {
    %mul3A = arith.constant 16 : i32
    %mul3A_0 = arith.muli %arg0, %mul3A : i32
    %add3A = arith.addi %mul3A_0, %arg1 : i32
    %mul3A_1 = arith.constant 625 : i32
    %mul3A_2 = arith.muli %arg1, %mul3A_1 : i32
    "tpu.region"() ({
      %run_scoped3A = tpu.sem_alloc : memref<!tpu.dma_semaphore, #tpu.memory_space<semaphore_mem>>
      %dma_start3A = arith.constant 0 : i32
      %dma_start3A_15 = tpu.memref_slice %arg11[%mul3A_2, %dma_start3A] : memref<10000x128xf32, #tpu.memory_space<vmem_shared>> -> memref<625x128xf32, #tpu.memory_space<vmem_shared>>
      tpu.enqueue_dma source(%arg5 : memref<625x128xf32, #tpu.memory_space<hbm>>) target(%dma_start3A_15 : memref<625x128xf32, #tpu.memory_space<vmem_shared>>) target_semaphore(%run_scoped3A : memref<!tpu.dma_semaphore, #tpu.memory_space<semaphore_mem>>)
      %dma_wait3A = arith.constant 0 : i32
      %dma_wait3A_16 = tpu.memref_slice %arg11[%mul3A_2, %dma_wait3A] : memref<10000x128xf32, #tpu.memory_space<vmem_shared>> -> memref<625x128xf32, #tpu.memory_space<vmem_shared>>
      tpu.wait_dma2 semaphore(%run_scoped3A : memref<!tpu.dma_semaphore, #tpu.memory_space<semaphore_mem>>) src(%arg5 : memref<625x128xf32, #tpu.memory_space<hbm>>) dst(%dma_wait3A_16 : memref<625x128xf32, #tpu.memory_space<vmem_shared>>)
      tpu.yield
    }) : () -> ()
    %barrier3A = arith.constant 0 : index
    tpu.barrier barrier_id(%barrier3A)
    "tpu.region"() ({
      %run_scoped3A = tpu.sem_alloc : memref<!tpu.dma_semaphore, #tpu.memory_space<semaphore_mem>>
      %dma_start3A = arith.constant 0 : i32
      %dma_start3A_15 = arith.constant 0 : i32
      %dma_start3A_16 = tpu.memref_slice %arg3[%add3A, %dma_start3A, %dma_start3A_15] : memref<32x80x125xi32, #tpu.memory_space<hbm>> -> memref<1x40x125xi32, #tpu.memory_space<hbm>>
      %dma_start3A_17 = tpu.memref_squeeze %dma_start3A_16 : memref<1x40x125xi32, #tpu.memory_space<hbm>> -> memref<40x125xi32, #tpu.memory_space<hbm>>
      %dma_start3A_18 = arith.constant 0 : i32
      %dma_start3A_19 = arith.constant 0 : i32
      %dma_start3A_20 = tpu.memref_slice %arg3[%add3A, %dma_start3A_18, %dma_start3A_19] : memref<32x80x125xi32, #tpu.memory_space<hbm>> -> memref<1x40x125xi32, #tpu.memory_space<hbm>>
      %dma_start3A_21 = tpu.memref_squeeze %dma_start3A_20 : memref<1x40x125xi32, #tpu.memory_space<hbm>> -> memref<40x125xi32, #tpu.memory_space<hbm>>
      tpu.enqueue_dma source(%dma_start3A_21 : memref<40x125xi32, #tpu.memory_space<hbm>>) target(%arg7 : memref<40x125xi32, #tpu.memory_space<vmem>>) target_semaphore(%run_scoped3A : memref<!tpu.dma_semaphore, #tpu.memory_space<semaphore_mem>>)
      %dma_wait3A = arith.constant 0 : i32
      %dma_wait3A_22 = arith.constant 0 : i32
      %dma_wait3A_23 = tpu.memref_slice %arg3[%add3A, %dma_wait3A, %dma_wait3A_22] : memref<32x80x125xi32, #tpu.memory_space<hbm>> -> memref<1x40x125xi32, #tpu.memory_space<hbm>>
      %dma_wait3A_24 = tpu.memref_squeeze %dma_wait3A_23 : memref<1x40x125xi32, #tpu.memory_space<hbm>> -> memref<40x125xi32, #tpu.memory_space<hbm>>
      %dma_wait3A_25 = arith.constant 0 : i32
      %dma_wait3A_26 = arith.constant 0 : i32
      %dma_wait3A_27 = tpu.memref_slice %arg3[%add3A, %dma_wait3A_25, %dma_wait3A_26] : memref<32x80x125xi32, #tpu.memory_space<hbm>> -> memref<1x40x125xi32, #tpu.memory_space<hbm>>
      %dma_wait3A_28 = tpu.memref_squeeze %dma_wait3A_27 : memref<1x40x125xi32, #tpu.memory_space<hbm>> -> memref<40x125xi32, #tpu.memory_space<hbm>>
      tpu.wait_dma2 semaphore(%run_scoped3A : memref<!tpu.dma_semaphore, #tpu.memory_space<semaphore_mem>>) src(%dma_wait3A_28 : memref<40x125xi32, #tpu.memory_space<hbm>>) dst(%arg7 : memref<40x125xi32, #tpu.memory_space<vmem>>)
      tpu.yield
    }) : () -> ()
    "tpu.region"() ({
      %run_scoped3A = tpu.sem_alloc : memref<!tpu.dma_semaphore, #tpu.memory_space<semaphore_mem>>
      %dma_start3A = arith.constant 0 : i32
      %dma_start3A_15 = arith.constant 0 : i32
      %dma_start3A_16 = tpu.memref_slice %arg4[%add3A, %dma_start3A, %dma_start3A_15] : memref<32x80x125xi32, #tpu.memory_space<hbm>> -> memref<1x40x125xi32, #tpu.memory_space<hbm>>
      %dma_start3A_17 = tpu.memref_squeeze %dma_start3A_16 : memref<1x40x125xi32, #tpu.memory_space<hbm>> -> memref<40x125xi32, #tpu.memory_space<hbm>>
      %dma_start3A_18 = arith.constant 0 : i32
      %dma_start3A_19 = arith.constant 0 : i32
      %dma_start3A_20 = tpu.memref_slice %arg4[%add3A, %dma_start3A_18, %dma_start3A_19] : memref<32x80x125xi32, #tpu.memory_space<hbm>> -> memref<1x40x125xi32, #tpu.memory_space<hbm>>
      %dma_start3A_21 = tpu.memref_squeeze %dma_start3A_20 : memref<1x40x125xi32, #tpu.memory_space<hbm>> -> memref<40x125xi32, #tpu.memory_space<hbm>>
      tpu.enqueue_dma source(%dma_start3A_21 : memref<40x125xi32, #tpu.memory_space<hbm>>) target(%arg8 : memref<40x125xi32, #tpu.memory_space<vmem>>) target_semaphore(%run_scoped3A : memref<!tpu.dma_semaphore, #tpu.memory_space<semaphore_mem>>)
      %dma_wait3A = arith.constant 0 : i32
      %dma_wait3A_22 = arith.constant 0 : i32
      %dma_wait3A_23 = tpu.memref_slice %arg4[%add3A, %dma_wait3A, %dma_wait3A_22] : memref<32x80x125xi32, #tpu.memory_space<hbm>> -> memref<1x40x125xi32, #tpu.memory_space<hbm>>
      %dma_wait3A_24 = tpu.memref_squeeze %dma_wait3A_23 : memref<1x40x125xi32, #tpu.memory_space<hbm>> -> memref<40x125xi32, #tpu.memory_space<hbm>>
      %dma_wait3A_25 = arith.constant 0 : i32
      %dma_wait3A_26 = arith.constant 0 : i32
      %dma_wait3A_27 = tpu.memref_slice %arg4[%add3A, %dma_wait3A_25, %dma_wait3A_26] : memref<32x80x125xi32, #tpu.memory_space<hbm>> -> memref<1x40x125xi32, #tpu.memory_space<hbm>>
      %dma_wait3A_28 = tpu.memref_squeeze %dma_wait3A_27 : memref<1x40x125xi32, #tpu.memory_space<hbm>> -> memref<40x125xi32, #tpu.memory_space<hbm>>
      tpu.wait_dma2 semaphore(%run_scoped3A : memref<!tpu.dma_semaphore, #tpu.memory_space<semaphore_mem>>) src(%dma_wait3A_28 : memref<40x125xi32, #tpu.memory_space<hbm>>) dst(%arg8 : memref<40x125xi32, #tpu.memory_space<vmem>>)
      tpu.yield
    }) : () -> ()
    %scan3A = arith.constant 0 : i32
    %scan3A_3 = arith.constant 20 : i32
    %scan3A_4 = arith.addi %scan3A, %scan3A_3 : i32
    %scan3A_5 = arith.constant 1 : i32
    scf.for %scan3A_15 = %scan3A to %scan3A_4 step %scan3A_5  : i32 {
      %mul3A_16 = arith.constant 1 : i32
      %mul3A_17 = arith.muli %scan3A_15, %mul3A_16 : i32
      %add3A_18 = arith.constant 0 : i32
      %add3A_19 = arith.addi %add3A_18, %mul3A_17 : i32
      %mul3A_20 = arith.constant 2 : i32
      %mul3A_21 = arith.muli %add3A_19, %mul3A_20 : i32
      %dma_start3A = arith.constant 0 : i32
      %dma_start3A_22 = tpu.memref_slice %arg7[%mul3A_21, %dma_start3A] : memref<40x125xi32, #tpu.memory_space<vmem>> -> memref<1x125xi32, #tpu.memory_space<vmem>>
      %dma_start3A_23 = tpu.memref_squeeze %dma_start3A_22 : memref<1x125xi32, #tpu.memory_space<vmem>> -> memref<125xi32, #tpu.memory_space<vmem>>
      %dma_start3A_24 = arith.constant 0 : i32
      %dma_start3A_25 = arith.constant 0 : i32
      %dma_start3A_26 = tpu.memref_slice %arg2[%dma_start3A_24, %dma_start3A_25] : memref<10000x128xf32, #tpu.memory_space<hbm>> -> memref<10000x128xf32, #tpu.memory_space<hbm>>
      tpu.enqueue_indirect_dma source(%dma_start3A_26 : memref<10000x128xf32, #tpu.memory_space<hbm>>) target(%arg9 : memref<125x128xf32, #tpu.memory_space<vmem>>) offsets(%dma_start3A_23 : memref<125xi32, #tpu.memory_space<vmem>>) semaphore(%arg12 : memref<!tpu.dma_semaphore, #tpu.memory_space<semaphore_mem>>)
      %add3A_27 = arith.constant 1 : i32
      %add3A_28 = arith.addi %mul3A_21, %add3A_27 : i32
      %dma_start3A_29 = arith.constant 0 : i32
      %dma_start3A_30 = tpu.memref_slice %arg7[%add3A_28, %dma_start3A_29] : memref<40x125xi32, #tpu.memory_space<vmem>> -> memref<1x125xi32, #tpu.memory_space<vmem>>
      %dma_start3A_31 = tpu.memref_squeeze %dma_start3A_30 : memref<1x125xi32, #tpu.memory_space<vmem>> -> memref<125xi32, #tpu.memory_space<vmem>>
      %dma_start3A_32 = arith.constant 0 : i32
      %dma_start3A_33 = arith.constant 0 : i32
      %dma_start3A_34 = tpu.memref_slice %arg2[%dma_start3A_32, %dma_start3A_33] : memref<10000x128xf32, #tpu.memory_space<hbm>> -> memref<10000x128xf32, #tpu.memory_space<hbm>>
      tpu.enqueue_indirect_dma source(%dma_start3A_34 : memref<10000x128xf32, #tpu.memory_space<hbm>>) target(%arg10 : memref<125x128xf32, #tpu.memory_space<vmem>>) offsets(%dma_start3A_31 : memref<125xi32, #tpu.memory_space<vmem>>) semaphore(%arg13 : memref<!tpu.dma_semaphore, #tpu.memory_space<semaphore_mem>>)
      %dma_wait3A = arith.constant 0 : i32
      %dma_wait3A_35 = tpu.memref_slice %arg7[%mul3A_21, %dma_wait3A] : memref<40x125xi32, #tpu.memory_space<vmem>> -> memref<1x125xi32, #tpu.memory_space<vmem>>
      %dma_wait3A_36 = tpu.memref_squeeze %dma_wait3A_35 : memref<1x125xi32, #tpu.memory_space<vmem>> -> memref<125xi32, #tpu.memory_space<vmem>>
      %dma_wait3A_37 = arith.constant 0 : i32
      %dma_wait3A_38 = arith.constant 0 : i32
      %dma_wait3A_39 = tpu.memref_slice %arg2[%dma_wait3A_37, %dma_wait3A_38] : memref<10000x128xf32, #tpu.memory_space<hbm>> -> memref<10000x128xf32, #tpu.memory_space<hbm>>
      tpu.wait_indirect_dma semaphore(%arg12 : memref<!tpu.dma_semaphore, #tpu.memory_space<semaphore_mem>>) src(%dma_wait3A_39 : memref<10000x128xf32, #tpu.memory_space<hbm>>) dst(%arg9 : memref<125x128xf32, #tpu.memory_space<vmem>>)
      "tpu.region"() ({
        %run_scoped3A = tpu.sem_alloc : memref<!tpu.dma_semaphore, #tpu.memory_space<semaphore_mem>>
        %dma_start3A_48 = arith.constant 0 : i32
        %dma_start3A_49 = tpu.memref_slice %arg8[%mul3A_21, %dma_start3A_48] : memref<40x125xi32, #tpu.memory_space<vmem>> -> memref<1x125xi32, #tpu.memory_space<vmem>>
        %dma_start3A_50 = tpu.memref_squeeze %dma_start3A_49 : memref<1x125xi32, #tpu.memory_space<vmem>> -> memref<125xi32, #tpu.memory_space<vmem>>
        %dma_start3A_51 = arith.constant 0 : i32
        %dma_start3A_52 = arith.constant 0 : i32
        %dma_start3A_53 = tpu.memref_slice %arg11[%dma_start3A_51, %dma_start3A_52] : memref<10000x128xf32, #tpu.memory_space<vmem_shared>> -> memref<10000x128xf32, #tpu.memory_space<vmem_shared>>
        tpu.enqueue_indirect_dma source(%arg9 : memref<125x128xf32, #tpu.memory_space<vmem>>) target(%dma_start3A_53 : memref<10000x128xf32, #tpu.memory_space<vmem_shared>>) offsets(%dma_start3A_50 : memref<125xi32, #tpu.memory_space<vmem>>) semaphore(%run_scoped3A : memref<!tpu.dma_semaphore, #tpu.memory_space<semaphore_mem>>) {add = true}
        %dma_wait3A_54 = arith.constant 0 : i32
        %dma_wait3A_55 = tpu.memref_slice %arg8[%mul3A_21, %dma_wait3A_54] : memref<40x125xi32, #tpu.memory_space<vmem>> -> memref<1x125xi32, #tpu.memory_space<vmem>>
        %dma_wait3A_56 = tpu.memref_squeeze %dma_wait3A_55 : memref<1x125xi32, #tpu.memory_space<vmem>> -> memref<125xi32, #tpu.memory_space<vmem>>
        %dma_wait3A_57 = arith.constant 0 : i32
        %dma_wait3A_58 = arith.constant 0 : i32
        %dma_wait3A_59 = tpu.memref_slice %arg11[%dma_wait3A_57, %dma_wait3A_58] : memref<10000x128xf32, #tpu.memory_space<vmem_shared>> -> memref<10000x128xf32, #tpu.memory_space<vmem_shared>>
        tpu.wait_indirect_dma semaphore(%run_scoped3A : memref<!tpu.dma_semaphore, #tpu.memory_space<semaphore_mem>>) src(%arg9 : memref<125x128xf32, #tpu.memory_space<vmem>>) dst(%dma_wait3A_59 : memref<10000x128xf32, #tpu.memory_space<vmem_shared>>)
        tpu.yield
      }) : () -> ()
      %dma_wait3A_40 = arith.constant 0 : i32
      %dma_wait3A_41 = tpu.memref_slice %arg7[%add3A_28, %dma_wait3A_40] : memref<40x125xi32, #tpu.memory_space<vmem>> -> memref<1x125xi32, #tpu.memory_space<vmem>>
      %dma_wait3A_42 = tpu.memref_squeeze %dma_wait3A_41 : memref<1x125xi32, #tpu.memory_space<vmem>> -> memref<125xi32, #tpu.memory_space<vmem>>
      %dma_wait3A_43 = arith.constant 0 : i32
      %dma_wait3A_44 = arith.constant 0 : i32
      %dma_wait3A_45 = tpu.memref_slice %arg2[%dma_wait3A_43, %dma_wait3A_44] : memref<10000x128xf32, #tpu.memory_space<hbm>> -> memref<10000x128xf32, #tpu.memory_space<hbm>>
      tpu.wait_indirect_dma semaphore(%arg13 : memref<!tpu.dma_semaphore, #tpu.memory_space<semaphore_mem>>) src(%dma_wait3A_45 : memref<10000x128xf32, #tpu.memory_space<hbm>>) dst(%arg10 : memref<125x128xf32, #tpu.memory_space<vmem>>)
      %add3A_46 = arith.constant 1 : i32
      %add3A_47 = arith.addi %mul3A_21, %add3A_46 : i32
      "tpu.region"() ({
        %run_scoped3A = tpu.sem_alloc : memref<!tpu.dma_semaphore, #tpu.memory_space<semaphore_mem>>
        %dma_start3A_48 = arith.constant 0 : i32
        %dma_start3A_49 = tpu.memref_slice %arg8[%add3A_47, %dma_start3A_48] : memref<40x125xi32, #tpu.memory_space<vmem>> -> memref<1x125xi32, #tpu.memory_space<vmem>>
        %dma_start3A_50 = tpu.memref_squeeze %dma_start3A_49 : memref<1x125xi32, #tpu.memory_space<vmem>> -> memref<125xi32, #tpu.memory_space<vmem>>
        %dma_start3A_51 = arith.constant 0 : i32
        %dma_start3A_52 = arith.constant 0 : i32
        %dma_start3A_53 = tpu.memref_slice %arg11[%dma_start3A_51, %dma_start3A_52] : memref<10000x128xf32, #tpu.memory_space<vmem_shared>> -> memref<10000x128xf32, #tpu.memory_space<vmem_shared>>
        tpu.enqueue_indirect_dma source(%arg10 : memref<125x128xf32, #tpu.memory_space<vmem>>) target(%dma_start3A_53 : memref<10000x128xf32, #tpu.memory_space<vmem_shared>>) offsets(%dma_start3A_50 : memref<125xi32, #tpu.memory_space<vmem>>) semaphore(%run_scoped3A : memref<!tpu.dma_semaphore, #tpu.memory_space<semaphore_mem>>) {add = true}
        %dma_wait3A_54 = arith.constant 0 : i32
        %dma_wait3A_55 = tpu.memref_slice %arg8[%add3A_47, %dma_wait3A_54] : memref<40x125xi32, #tpu.memory_space<vmem>> -> memref<1x125xi32, #tpu.memory_space<vmem>>
        %dma_wait3A_56 = tpu.memref_squeeze %dma_wait3A_55 : memref<1x125xi32, #tpu.memory_space<vmem>> -> memref<125xi32, #tpu.memory_space<vmem>>
        %dma_wait3A_57 = arith.constant 0 : i32
        %dma_wait3A_58 = arith.constant 0 : i32
        %dma_wait3A_59 = tpu.memref_slice %arg11[%dma_wait3A_57, %dma_wait3A_58] : memref<10000x128xf32, #tpu.memory_space<vmem_shared>> -> memref<10000x128xf32, #tpu.memory_space<vmem_shared>>
        tpu.wait_indirect_dma semaphore(%run_scoped3A : memref<!tpu.dma_semaphore, #tpu.memory_space<semaphore_mem>>) src(%arg10 : memref<125x128xf32, #tpu.memory_space<vmem>>) dst(%dma_wait3A_59 : memref<10000x128xf32, #tpu.memory_space<vmem_shared>>)
        tpu.yield
      }) : () -> ()
    }
    %scan3A_6 = arith.constant 20 : i32
    "tpu.region"() ({
      %run_scoped3A = tpu.sem_alloc : memref<!tpu.dma_semaphore, #tpu.memory_space<semaphore_mem>>
      %dma_start3A = arith.constant 40 : i32
      %dma_start3A_15 = arith.constant 0 : i32
      %dma_start3A_16 = tpu.memref_slice %arg3[%add3A, %dma_start3A, %dma_start3A_15] : memref<32x80x125xi32, #tpu.memory_space<hbm>> -> memref<1x40x125xi32, #tpu.memory_space<hbm>>
      %dma_start3A_17 = tpu.memref_squeeze %dma_start3A_16 : memref<1x40x125xi32, #tpu.memory_space<hbm>> -> memref<40x125xi32, #tpu.memory_space<hbm>>
      %dma_start3A_18 = arith.constant 40 : i32
      %dma_start3A_19 = arith.constant 0 : i32
      %dma_start3A_20 = tpu.memref_slice %arg3[%add3A, %dma_start3A_18, %dma_start3A_19] : memref<32x80x125xi32, #tpu.memory_space<hbm>> -> memref<1x40x125xi32, #tpu.memory_space<hbm>>
      %dma_start3A_21 = tpu.memref_squeeze %dma_start3A_20 : memref<1x40x125xi32, #tpu.memory_space<hbm>> -> memref<40x125xi32, #tpu.memory_space<hbm>>
      tpu.enqueue_dma source(%dma_start3A_21 : memref<40x125xi32, #tpu.memory_space<hbm>>) target(%arg7 : memref<40x125xi32, #tpu.memory_space<vmem>>) target_semaphore(%run_scoped3A : memref<!tpu.dma_semaphore, #tpu.memory_space<semaphore_mem>>)
      %dma_wait3A = arith.constant 40 : i32
      %dma_wait3A_22 = arith.constant 0 : i32
      %dma_wait3A_23 = tpu.memref_slice %arg3[%add3A, %dma_wait3A, %dma_wait3A_22] : memref<32x80x125xi32, #tpu.memory_space<hbm>> -> memref<1x40x125xi32, #tpu.memory_space<hbm>>
      %dma_wait3A_24 = tpu.memref_squeeze %dma_wait3A_23 : memref<1x40x125xi32, #tpu.memory_space<hbm>> -> memref<40x125xi32, #tpu.memory_space<hbm>>
      %dma_wait3A_25 = arith.constant 40 : i32
      %dma_wait3A_26 = arith.constant 0 : i32
      %dma_wait3A_27 = tpu.memref_slice %arg3[%add3A, %dma_wait3A_25, %dma_wait3A_26] : memref<32x80x125xi32, #tpu.memory_space<hbm>> -> memref<1x40x125xi32, #tpu.memory_space<hbm>>
      %dma_wait3A_28 = tpu.memref_squeeze %dma_wait3A_27 : memref<1x40x125xi32, #tpu.memory_space<hbm>> -> memref<40x125xi32, #tpu.memory_space<hbm>>
      tpu.wait_dma2 semaphore(%run_scoped3A : memref<!tpu.dma_semaphore, #tpu.memory_space<semaphore_mem>>) src(%dma_wait3A_28 : memref<40x125xi32, #tpu.memory_space<hbm>>) dst(%arg7 : memref<40x125xi32, #tpu.memory_space<vmem>>)
      tpu.yield
    }) : () -> ()
    "tpu.region"() ({
      %run_scoped3A = tpu.sem_alloc : memref<!tpu.dma_semaphore, #tpu.memory_space<semaphore_mem>>
      %dma_start3A = arith.constant 40 : i32
      %dma_start3A_15 = arith.constant 0 : i32
      %dma_start3A_16 = tpu.memref_slice %arg4[%add3A, %dma_start3A, %dma_start3A_15] : memref<32x80x125xi32, #tpu.memory_space<hbm>> -> memref<1x40x125xi32, #tpu.memory_space<hbm>>
      %dma_start3A_17 = tpu.memref_squeeze %dma_start3A_16 : memref<1x40x125xi32, #tpu.memory_space<hbm>> -> memref<40x125xi32, #tpu.memory_space<hbm>>
      %dma_start3A_18 = arith.constant 40 : i32
      %dma_start3A_19 = arith.constant 0 : i32
      %dma_start3A_20 = tpu.memref_slice %arg4[%add3A, %dma_start3A_18, %dma_start3A_19] : memref<32x80x125xi32, #tpu.memory_space<hbm>> -> memref<1x40x125xi32, #tpu.memory_space<hbm>>
      %dma_start3A_21 = tpu.memref_squeeze %dma_start3A_20 : memref<1x40x125xi32, #tpu.memory_space<hbm>> -> memref<40x125xi32, #tpu.memory_space<hbm>>
      tpu.enqueue_dma source(%dma_start3A_21 : memref<40x125xi32, #tpu.memory_space<hbm>>) target(%arg8 : memref<40x125xi32, #tpu.memory_space<vmem>>) target_semaphore(%run_scoped3A : memref<!tpu.dma_semaphore, #tpu.memory_space<semaphore_mem>>)
      %dma_wait3A = arith.constant 40 : i32
      %dma_wait3A_22 = arith.constant 0 : i32
      %dma_wait3A_23 = tpu.memref_slice %arg4[%add3A, %dma_wait3A, %dma_wait3A_22] : memref<32x80x125xi32, #tpu.memory_space<hbm>> -> memref<1x40x125xi32, #tpu.memory_space<hbm>>
      %dma_wait3A_24 = tpu.memref_squeeze %dma_wait3A_23 : memref<1x40x125xi32, #tpu.memory_space<hbm>> -> memref<40x125xi32, #tpu.memory_space<hbm>>
      %dma_wait3A_25 = arith.constant 40 : i32
      %dma_wait3A_26 = arith.constant 0 : i32
      %dma_wait3A_27 = tpu.memref_slice %arg4[%add3A, %dma_wait3A_25, %dma_wait3A_26] : memref<32x80x125xi32, #tpu.memory_space<hbm>> -> memref<1x40x125xi32, #tpu.memory_space<hbm>>
      %dma_wait3A_28 = tpu.memref_squeeze %dma_wait3A_27 : memref<1x40x125xi32, #tpu.memory_space<hbm>> -> memref<40x125xi32, #tpu.memory_space<hbm>>
      tpu.wait_dma2 semaphore(%run_scoped3A : memref<!tpu.dma_semaphore, #tpu.memory_space<semaphore_mem>>) src(%dma_wait3A_28 : memref<40x125xi32, #tpu.memory_space<hbm>>) dst(%arg8 : memref<40x125xi32, #tpu.memory_space<vmem>>)
      tpu.yield
    }) : () -> ()
    %scan3A_7 = arith.constant 0 : i32
    %scan3A_8 = arith.constant 20 : i32
    %scan3A_9 = arith.addi %scan3A_7, %scan3A_8 : i32
    %scan3A_10 = arith.constant 1 : i32
    scf.for %scan3A_15 = %scan3A_7 to %scan3A_9 step %scan3A_10  : i32 {
      %mul3A_16 = arith.constant 1 : i32
      %mul3A_17 = arith.muli %scan3A_15, %mul3A_16 : i32
      %add3A_18 = arith.constant 0 : i32
      %add3A_19 = arith.addi %add3A_18, %mul3A_17 : i32
      %mul3A_20 = arith.constant 2 : i32
      %mul3A_21 = arith.muli %add3A_19, %mul3A_20 : i32
      %dma_start3A = arith.constant 0 : i32
      %dma_start3A_22 = tpu.memref_slice %arg7[%mul3A_21, %dma_start3A] : memref<40x125xi32, #tpu.memory_space<vmem>> -> memref<1x125xi32, #tpu.memory_space<vmem>>
      %dma_start3A_23 = tpu.memref_squeeze %dma_start3A_22 : memref<1x125xi32, #tpu.memory_space<vmem>> -> memref<125xi32, #tpu.memory_space<vmem>>
      %dma_start3A_24 = arith.constant 0 : i32
      %dma_start3A_25 = arith.constant 0 : i32
      %dma_start3A_26 = tpu.memref_slice %arg2[%dma_start3A_24, %dma_start3A_25] : memref<10000x128xf32, #tpu.memory_space<hbm>> -> memref<10000x128xf32, #tpu.memory_space<hbm>>
      tpu.enqueue_indirect_dma source(%dma_start3A_26 : memref<10000x128xf32, #tpu.memory_space<hbm>>) target(%arg9 : memref<125x128xf32, #tpu.memory_space<vmem>>) offsets(%dma_start3A_23 : memref<125xi32, #tpu.memory_space<vmem>>) semaphore(%arg12 : memref<!tpu.dma_semaphore, #tpu.memory_space<semaphore_mem>>)
      %add3A_27 = arith.constant 1 : i32
      %add3A_28 = arith.addi %mul3A_21, %add3A_27 : i32
      %dma_start3A_29 = arith.constant 0 : i32
      %dma_start3A_30 = tpu.memref_slice %arg7[%add3A_28, %dma_start3A_29] : memref<40x125xi32, #tpu.memory_space<vmem>> -> memref<1x125xi32, #tpu.memory_space<vmem>>
      %dma_start3A_31 = tpu.memref_squeeze %dma_start3A_30 : memref<1x125xi32, #tpu.memory_space<vmem>> -> memref<125xi32, #tpu.memory_space<vmem>>
      %dma_start3A_32 = arith.constant 0 : i32
      %dma_start3A_33 = arith.constant 0 : i32
      %dma_start3A_34 = tpu.memref_slice %arg2[%dma_start3A_32, %dma_start3A_33] : memref<10000x128xf32, #tpu.memory_space<hbm>> -> memref<10000x128xf32, #tpu.memory_space<hbm>>
      tpu.enqueue_indirect_dma source(%dma_start3A_34 : memref<10000x128xf32, #tpu.memory_space<hbm>>) target(%arg10 : memref<125x128xf32, #tpu.memory_space<vmem>>) offsets(%dma_start3A_31 : memref<125xi32, #tpu.memory_space<vmem>>) semaphore(%arg13 : memref<!tpu.dma_semaphore, #tpu.memory_space<semaphore_mem>>)
      %dma_wait3A = arith.constant 0 : i32
      %dma_wait3A_35 = tpu.memref_slice %arg7[%mul3A_21, %dma_wait3A] : memref<40x125xi32, #tpu.memory_space<vmem>> -> memref<1x125xi32, #tpu.memory_space<vmem>>
      %dma_wait3A_36 = tpu.memref_squeeze %dma_wait3A_35 : memref<1x125xi32, #tpu.memory_space<vmem>> -> memref<125xi32, #tpu.memory_space<vmem>>
      %dma_wait3A_37 = arith.constant 0 : i32
      %dma_wait3A_38 = arith.constant 0 : i32
      %dma_wait3A_39 = tpu.memref_slice %arg2[%dma_wait3A_37, %dma_wait3A_38] : memref<10000x128xf32, #tpu.memory_space<hbm>> -> memref<10000x128xf32, #tpu.memory_space<hbm>>
      tpu.wait_indirect_dma semaphore(%arg12 : memref<!tpu.dma_semaphore, #tpu.memory_space<semaphore_mem>>) src(%dma_wait3A_39 : memref<10000x128xf32, #tpu.memory_space<hbm>>) dst(%arg9 : memref<125x128xf32, #tpu.memory_space<vmem>>)
      "tpu.region"() ({
        %run_scoped3A = tpu.sem_alloc : memref<!tpu.dma_semaphore, #tpu.memory_space<semaphore_mem>>
        %dma_start3A_48 = arith.constant 0 : i32
        %dma_start3A_49 = tpu.memref_slice %arg8[%mul3A_21, %dma_start3A_48] : memref<40x125xi32, #tpu.memory_space<vmem>> -> memref<1x125xi32, #tpu.memory_space<vmem>>
        %dma_start3A_50 = tpu.memref_squeeze %dma_start3A_49 : memref<1x125xi32, #tpu.memory_space<vmem>> -> memref<125xi32, #tpu.memory_space<vmem>>
        %dma_start3A_51 = arith.constant 0 : i32
        %dma_start3A_52 = arith.constant 0 : i32
        %dma_start3A_53 = tpu.memref_slice %arg11[%dma_start3A_51, %dma_start3A_52] : memref<10000x128xf32, #tpu.memory_space<vmem_shared>> -> memref<10000x128xf32, #tpu.memory_space<vmem_shared>>
        tpu.enqueue_indirect_dma source(%arg9 : memref<125x128xf32, #tpu.memory_space<vmem>>) target(%dma_start3A_53 : memref<10000x128xf32, #tpu.memory_space<vmem_shared>>) offsets(%dma_start3A_50 : memref<125xi32, #tpu.memory_space<vmem>>) semaphore(%run_scoped3A : memref<!tpu.dma_semaphore, #tpu.memory_space<semaphore_mem>>) {add = true}
        %dma_wait3A_54 = arith.constant 0 : i32
        %dma_wait3A_55 = tpu.memref_slice %arg8[%mul3A_21, %dma_wait3A_54] : memref<40x125xi32, #tpu.memory_space<vmem>> -> memref<1x125xi32, #tpu.memory_space<vmem>>
        %dma_wait3A_56 = tpu.memref_squeeze %dma_wait3A_55 : memref<1x125xi32, #tpu.memory_space<vmem>> -> memref<125xi32, #tpu.memory_space<vmem>>
        %dma_wait3A_57 = arith.constant 0 : i32
        %dma_wait3A_58 = arith.constant 0 : i32
        %dma_wait3A_59 = tpu.memref_slice %arg11[%dma_wait3A_57, %dma_wait3A_58] : memref<10000x128xf32, #tpu.memory_space<vmem_shared>> -> memref<10000x128xf32, #tpu.memory_space<vmem_shared>>
        tpu.wait_indirect_dma semaphore(%run_scoped3A : memref<!tpu.dma_semaphore, #tpu.memory_space<semaphore_mem>>) src(%arg9 : memref<125x128xf32, #tpu.memory_space<vmem>>) dst(%dma_wait3A_59 : memref<10000x128xf32, #tpu.memory_space<vmem_shared>>)
        tpu.yield
      }) : () -> ()
      %dma_wait3A_40 = arith.constant 0 : i32
      %dma_wait3A_41 = tpu.memref_slice %arg7[%add3A_28, %dma_wait3A_40] : memref<40x125xi32, #tpu.memory_space<vmem>> -> memref<1x125xi32, #tpu.memory_space<vmem>>
      %dma_wait3A_42 = tpu.memref_squeeze %dma_wait3A_41 : memref<1x125xi32, #tpu.memory_space<vmem>> -> memref<125xi32, #tpu.memory_space<vmem>>
      %dma_wait3A_43 = arith.constant 0 : i32
      %dma_wait3A_44 = arith.constant 0 : i32
      %dma_wait3A_45 = tpu.memref_slice %arg2[%dma_wait3A_43, %dma_wait3A_44] : memref<10000x128xf32, #tpu.memory_space<hbm>> -> memref<10000x128xf32, #tpu.memory_space<hbm>>
      tpu.wait_indirect_dma semaphore(%arg13 : memref<!tpu.dma_semaphore, #tpu.memory_space<semaphore_mem>>) src(%dma_wait3A_45 : memref<10000x128xf32, #tpu.memory_space<hbm>>) dst(%arg10 : memref<125x128xf32, #tpu.memory_space<vmem>>)
      %add3A_46 = arith.constant 1 : i32
      %add3A_47 = arith.addi %mul3A_21, %add3A_46 : i32
      "tpu.region"() ({
        %run_scoped3A = tpu.sem_alloc : memref<!tpu.dma_semaphore, #tpu.memory_space<semaphore_mem>>
        %dma_start3A_48 = arith.constant 0 : i32
        %dma_start3A_49 = tpu.memref_slice %arg8[%add3A_47, %dma_start3A_48] : memref<40x125xi32, #tpu.memory_space<vmem>> -> memref<1x125xi32, #tpu.memory_space<vmem>>
        %dma_start3A_50 = tpu.memref_squeeze %dma_start3A_49 : memref<1x125xi32, #tpu.memory_space<vmem>> -> memref<125xi32, #tpu.memory_space<vmem>>
        %dma_start3A_51 = arith.constant 0 : i32
        %dma_start3A_52 = arith.constant 0 : i32
        %dma_start3A_53 = tpu.memref_slice %arg11[%dma_start3A_51, %dma_start3A_52] : memref<10000x128xf32, #tpu.memory_space<vmem_shared>> -> memref<10000x128xf32, #tpu.memory_space<vmem_shared>>
        tpu.enqueue_indirect_dma source(%arg10 : memref<125x128xf32, #tpu.memory_space<vmem>>) target(%dma_start3A_53 : memref<10000x128xf32, #tpu.memory_space<vmem_shared>>) offsets(%dma_start3A_50 : memref<125xi32, #tpu.memory_space<vmem>>) semaphore(%run_scoped3A : memref<!tpu.dma_semaphore, #tpu.memory_space<semaphore_mem>>) {add = true}
        %dma_wait3A_54 = arith.constant 0 : i32
        %dma_wait3A_55 = tpu.memref_slice %arg8[%add3A_47, %dma_wait3A_54] : memref<40x125xi32, #tpu.memory_space<vmem>> -> memref<1x125xi32, #tpu.memory_space<vmem>>
        %dma_wait3A_56 = tpu.memref_squeeze %dma_wait3A_55 : memref<1x125xi32, #tpu.memory_space<vmem>> -> memref<125xi32, #tpu.memory_space<vmem>>
        %dma_wait3A_57 = arith.constant 0 : i32
        %dma_wait3A_58 = arith.constant 0 : i32
        %dma_wait3A_59 = tpu.memref_slice %arg11[%dma_wait3A_57, %dma_wait3A_58] : memref<10000x128xf32, #tpu.memory_space<vmem_shared>> -> memref<10000x128xf32, #tpu.memory_space<vmem_shared>>
        tpu.wait_indirect_dma semaphore(%run_scoped3A : memref<!tpu.dma_semaphore, #tpu.memory_space<semaphore_mem>>) src(%arg10 : memref<125x128xf32, #tpu.memory_space<vmem>>) dst(%dma_wait3A_59 : memref<10000x128xf32, #tpu.memory_space<vmem_shared>>)
        tpu.yield
      }) : () -> ()
    }
    %scan3A_11 = arith.constant 20 : i32
    %barrier3A_12 = arith.constant 0 : index
    tpu.barrier barrier_id(%barrier3A_12)
    %mul3A_13 = arith.constant 625 : i32
    %mul3A_14 = arith.muli %arg1, %mul3A_13 : i32
    "tpu.region"() ({
      %run_scoped3A = tpu.sem_alloc : memref<!tpu.dma_semaphore, #tpu.memory_space<semaphore_mem>>
      %dma_start3A = arith.constant 0 : i32
      %dma_start3A_15 = arith.constant 0 : i32
      %dma_start3A_16 = tpu.memref_slice %arg6[%arg0, %arg1, %dma_start3A, %dma_start3A_15] : memref<2x16x625x128xf32, #tpu.memory_space<hbm>> -> memref<1x1x625x128xf32, #tpu.memory_space<hbm>>
      %dma_start3A_17 = tpu.memref_squeeze %dma_start3A_16 : memref<1x1x625x128xf32, #tpu.memory_space<hbm>> -> memref<625x128xf32, #tpu.memory_space<hbm>>
      %dma_start3A_18 = arith.constant 0 : i32
      %dma_start3A_19 = tpu.memref_slice %arg11[%mul3A_14, %dma_start3A_18] : memref<10000x128xf32, #tpu.memory_space<vmem_shared>> -> memref<625x128xf32, #tpu.memory_space<vmem_shared>>
      tpu.enqueue_dma source(%dma_start3A_19 : memref<625x128xf32, #tpu.memory_space<vmem_shared>>) target(%dma_start3A_17 : memref<625x128xf32, #tpu.memory_space<hbm>>) target_semaphore(%run_scoped3A : memref<!tpu.dma_semaphore, #tpu.memory_space<semaphore_mem>>)
      %dma_wait3A = arith.constant 0 : i32
      %dma_wait3A_20 = arith.constant 0 : i32
      %dma_wait3A_21 = tpu.memref_slice %arg6[%arg0, %arg1, %dma_wait3A, %dma_wait3A_20] : memref<2x16x625x128xf32, #tpu.memory_space<hbm>> -> memref<1x1x625x128xf32, #tpu.memory_space<hbm>>
      %dma_wait3A_22 = tpu.memref_squeeze %dma_wait3A_21 : memref<1x1x625x128xf32, #tpu.memory_space<hbm>> -> memref<625x128xf32, #tpu.memory_space<hbm>>
      %dma_wait3A_23 = arith.constant 0 : i32
      %dma_wait3A_24 = tpu.memref_slice %arg11[%mul3A_14, %dma_wait3A_23] : memref<10000x128xf32, #tpu.memory_space<vmem_shared>> -> memref<625x128xf32, #tpu.memory_space<vmem_shared>>
      tpu.wait_dma2 semaphore(%run_scoped3A : memref<!tpu.dma_semaphore, #tpu.memory_space<semaphore_mem>>) src(%dma_wait3A_24 : memref<625x128xf32, #tpu.memory_space<vmem_shared>>) dst(%dma_wait3A_22 : memref<625x128xf32, #tpu.memory_space<hbm>>)
      tpu.yield
    }) : () -> ()
    return
  }
}

#map = affine_map<(d0, d1) -> (0, 0, 0)>
#map1 = affine_map<(d0, d1) -> (0, 0)>
#map2 = affine_map<(d0, d1) -> (0, 0, 0, 0)>
module attributes {stable_mosaic.version = 14 : i64} {
  func.func @deg_kernel(%arg0: i32, %arg1: i32, %arg2: memref<32x80x125xi32, #tpu.memory_space<hbm>>, %arg3: memref<625x128xf32, #tpu.memory_space<hbm>>, %arg4: memref<2x16x625x128xf32, #tpu.memory_space<hbm>>, %arg5: memref<40x125xi32, #tpu.memory_space<vmem>>, %arg6: memref<125x128xf32, #tpu.memory_space<vmem>>, %arg7: memref<10000x128xf32, #tpu.memory_space<vmem_shared>>) attributes {dimension_semantics = [#tpu.dimension_semantics<core_parallel>, #tpu.dimension_semantics<subcore_parallel>], iteration_bounds = array<i64: 2, 16>, scalar_prefetch = 0 : i64, scratch_operands = 3 : i64, tpu.core_type = #tpu.core_type<sc_vector_subcore>, window_params = [{transform_indices = #map}, {transform_indices = #map1}, {transform_indices = #map2}]} {
    %mul3A = arith.constant 16 : i32
    %mul3A_0 = arith.muli %arg0, %mul3A : i32
    %add3A = arith.addi %mul3A_0, %arg1 : i32
    %mul3A_1 = arith.constant 625 : i32
    %mul3A_2 = arith.muli %arg1, %mul3A_1 : i32
    "tpu.region"() ({
      %run_scoped3A = tpu.sem_alloc : memref<!tpu.dma_semaphore, #tpu.memory_space<semaphore_mem>>
      %dma_start3A = arith.constant 0 : i32
      %dma_start3A_20 = tpu.memref_slice %arg7[%mul3A_2, %dma_start3A] : memref<10000x128xf32, #tpu.memory_space<vmem_shared>> -> memref<625x128xf32, #tpu.memory_space<vmem_shared>>
      tpu.enqueue_dma source(%arg3 : memref<625x128xf32, #tpu.memory_space<hbm>>) target(%dma_start3A_20 : memref<625x128xf32, #tpu.memory_space<vmem_shared>>) target_semaphore(%run_scoped3A : memref<!tpu.dma_semaphore, #tpu.memory_space<semaphore_mem>>)
      %dma_wait3A = arith.constant 0 : i32
      %dma_wait3A_21 = tpu.memref_slice %arg7[%mul3A_2, %dma_wait3A] : memref<10000x128xf32, #tpu.memory_space<vmem_shared>> -> memref<625x128xf32, #tpu.memory_space<vmem_shared>>
      tpu.wait_dma2 semaphore(%run_scoped3A : memref<!tpu.dma_semaphore, #tpu.memory_space<semaphore_mem>>) src(%arg3 : memref<625x128xf32, #tpu.memory_space<hbm>>) dst(%dma_wait3A_21 : memref<625x128xf32, #tpu.memory_space<vmem_shared>>)
      tpu.yield
    }) : () -> ()
    %scan3A = arith.constant 0 : i32
    %scan3A_3 = arith.constant 125 : i32
    %scan3A_4 = arith.addi %scan3A, %scan3A_3 : i32
    %scan3A_5 = arith.constant 1 : i32
    scf.for %scan3A_20 = %scan3A to %scan3A_4 step %scan3A_5  : i32 {
      %mul3A_21 = arith.constant 1 : i32
      %mul3A_22 = arith.muli %scan3A_20, %mul3A_21 : i32
      %add3A_23 = arith.constant 0 : i32
      %add3A_24 = arith.addi %add3A_23, %mul3A_22 : i32
      %broadcast_in_dim3A = arith.constant 1.000000e+00 : f32
      %broadcast_in_dim3A_25 = vector.broadcast %broadcast_in_dim3A : f32 to vector<16xf32>
      %swap3A = arith.index_cast %add3A_24 : i32 to index
      %swap3A_26 = arith.constant 0 : index
      %swap3A_27 = tpu.vector_load %arg6[%swap3A, %swap3A_26] {strides = array<i32>} : memref<125x128xf32, #tpu.memory_space<vmem>>, vector<1x16xf32>,
      %swap3A_28 = vector.shape_cast %swap3A_27 : vector<1x16xf32> to vector<16xf32>
      %swap3A_29 = vector.shape_cast %broadcast_in_dim3A_25 : vector<16xf32> to vector<1x16xf32>
      tpu.vector_store %arg6[%swap3A, %swap3A_26], %swap3A_29 {strides = array<i32>} : memref<125x128xf32, #tpu.memory_space<vmem>>, vector<1x16xf32>,
      %broadcast_in_dim3A_30 = arith.constant 1.000000e+00 : f32
      %broadcast_in_dim3A_31 = vector.broadcast %broadcast_in_dim3A_30 : f32 to vector<16xf32>
      %swap3A_32 = arith.index_cast %add3A_24 : i32 to index
      %swap3A_33 = arith.constant 16 : index
      %swap3A_34 = tpu.vector_load %arg6[%swap3A_32, %swap3A_33] {strides = array<i32>} : memref<125x128xf32, #tpu.memory_space<vmem>>, vector<1x16xf32>,
      %swap3A_35 = vector.shape_cast %swap3A_34 : vector<1x16xf32> to vector<16xf32>
      %swap3A_36 = vector.shape_cast %broadcast_in_dim3A_31 : vector<16xf32> to vector<1x16xf32>
      tpu.vector_store %arg6[%swap3A_32, %swap3A_33], %swap3A_36 {strides = array<i32>} : memref<125x128xf32, #tpu.memory_space<vmem>>, vector<1x16xf32>,
      %broadcast_in_dim3A_37 = arith.constant 1.000000e+00 : f32
      %broadcast_in_dim3A_38 = vector.broadcast %broadcast_in_dim3A_37 : f32 to vector<16xf32>
      %swap3A_39 = arith.index_cast %add3A_24 : i32 to index
      %swap3A_40 = arith.constant 32 : index
      %swap3A_41 = tpu.vector_load %arg6[%swap3A_39, %swap3A_40] {strides = array<i32>} : memref<125x128xf32, #tpu.memory_space<vmem>>, vector<1x16xf32>,
      %swap3A_42 = vector.shape_cast %swap3A_41 : vector<1x16xf32> to vector<16xf32>
      %swap3A_43 = vector.shape_cast %broadcast_in_dim3A_38 : vector<16xf32> to vector<1x16xf32>
      tpu.vector_store %arg6[%swap3A_39, %swap3A_40], %swap3A_43 {strides = array<i32>} : memref<125x128xf32, #tpu.memory_space<vmem>>, vector<1x16xf32>,
      %broadcast_in_dim3A_44 = arith.constant 1.000000e+00 : f32
      %broadcast_in_dim3A_45 = vector.broadcast %broadcast_in_dim3A_44 : f32 to vector<16xf32>
      %swap3A_46 = arith.index_cast %add3A_24 : i32 to index
      %swap3A_47 = arith.constant 48 : index
      %swap3A_48 = tpu.vector_load %arg6[%swap3A_46, %swap3A_47] {strides = array<i32>} : memref<125x128xf32, #tpu.memory_space<vmem>>, vector<1x16xf32>,
      %swap3A_49 = vector.shape_cast %swap3A_48 : vector<1x16xf32> to vector<16xf32>
      %swap3A_50 = vector.shape_cast %broadcast_in_dim3A_45 : vector<16xf32> to vector<1x16xf32>
      tpu.vector_store %arg6[%swap3A_46, %swap3A_47], %swap3A_50 {strides = array<i32>} : memref<125x128xf32, #tpu.memory_space<vmem>>, vector<1x16xf32>,
      %broadcast_in_dim3A_51 = arith.constant 1.000000e+00 : f32
      %broadcast_in_dim3A_52 = vector.broadcast %broadcast_in_dim3A_51 : f32 to vector<16xf32>
      %swap3A_53 = arith.index_cast %add3A_24 : i32 to index
      %swap3A_54 = arith.constant 64 : index
      %swap3A_55 = tpu.vector_load %arg6[%swap3A_53, %swap3A_54] {strides = array<i32>} : memref<125x128xf32, #tpu.memory_space<vmem>>, vector<1x16xf32>,
      %swap3A_56 = vector.shape_cast %swap3A_55 : vector<1x16xf32> to vector<16xf32>
      %swap3A_57 = vector.shape_cast %broadcast_in_dim3A_52 : vector<16xf32> to vector<1x16xf32>
      tpu.vector_store %arg6[%swap3A_53, %swap3A_54], %swap3A_57 {strides = array<i32>} : memref<125x128xf32, #tpu.memory_space<vmem>>, vector<1x16xf32>,
      %broadcast_in_dim3A_58 = arith.constant 1.000000e+00 : f32
      %broadcast_in_dim3A_59 = vector.broadcast %broadcast_in_dim3A_58 : f32 to vector<16xf32>
      %swap3A_60 = arith.index_cast %add3A_24 : i32 to index
      %swap3A_61 = arith.constant 80 : index
      %swap3A_62 = tpu.vector_load %arg6[%swap3A_60, %swap3A_61] {strides = array<i32>} : memref<125x128xf32, #tpu.memory_space<vmem>>, vector<1x16xf32>,
      %swap3A_63 = vector.shape_cast %swap3A_62 : vector<1x16xf32> to vector<16xf32>
      %swap3A_64 = vector.shape_cast %broadcast_in_dim3A_59 : vector<16xf32> to vector<1x16xf32>
      tpu.vector_store %arg6[%swap3A_60, %swap3A_61], %swap3A_64 {strides = array<i32>} : memref<125x128xf32, #tpu.memory_space<vmem>>, vector<1x16xf32>,
      %broadcast_in_dim3A_65 = arith.constant 1.000000e+00 : f32
      %broadcast_in_dim3A_66 = vector.broadcast %broadcast_in_dim3A_65 : f32 to vector<16xf32>
      %swap3A_67 = arith.index_cast %add3A_24 : i32 to index
      %swap3A_68 = arith.constant 96 : index
      %swap3A_69 = tpu.vector_load %arg6[%swap3A_67, %swap3A_68] {strides = array<i32>} : memref<125x128xf32, #tpu.memory_space<vmem>>, vector<1x16xf32>,
      %swap3A_70 = vector.shape_cast %swap3A_69 : vector<1x16xf32> to vector<16xf32>
      %swap3A_71 = vector.shape_cast %broadcast_in_dim3A_66 : vector<16xf32> to vector<1x16xf32>
      tpu.vector_store %arg6[%swap3A_67, %swap3A_68], %swap3A_71 {strides = array<i32>} : memref<125x128xf32, #tpu.memory_space<vmem>>, vector<1x16xf32>,
      %broadcast_in_dim3A_72 = arith.constant 1.000000e+00 : f32
      %broadcast_in_dim3A_73 = vector.broadcast %broadcast_in_dim3A_72 : f32 to vector<16xf32>
      %swap3A_74 = arith.index_cast %add3A_24 : i32 to index
      %swap3A_75 = arith.constant 112 : index
      %swap3A_76 = tpu.vector_load %arg6[%swap3A_74, %swap3A_75] {strides = array<i32>} : memref<125x128xf32, #tpu.memory_space<vmem>>, vector<1x16xf32>,
      %swap3A_77 = vector.shape_cast %swap3A_76 : vector<1x16xf32> to vector<16xf32>
      %swap3A_78 = vector.shape_cast %broadcast_in_dim3A_73 : vector<16xf32> to vector<1x16xf32>
      tpu.vector_store %arg6[%swap3A_74, %swap3A_75], %swap3A_78 {strides = array<i32>} : memref<125x128xf32, #tpu.memory_space<vmem>>, vector<1x16xf32>,
    }
    %scan3A_6 = arith.constant 125 : i32
    %barrier3A = arith.constant 0 : index
    tpu.barrier barrier_id(%barrier3A)
    "tpu.region"() ({
      %run_scoped3A = tpu.sem_alloc : memref<!tpu.dma_semaphore, #tpu.memory_space<semaphore_mem>>
      %dma_start3A = arith.constant 0 : i32
      %dma_start3A_20 = arith.constant 0 : i32
      %dma_start3A_21 = tpu.memref_slice %arg2[%add3A, %dma_start3A, %dma_start3A_20] : memref<32x80x125xi32, #tpu.memory_space<hbm>> -> memref<1x40x125xi32, #tpu.memory_space<hbm>>
      %dma_start3A_22 = tpu.memref_squeeze %dma_start3A_21 : memref<1x40x125xi32, #tpu.memory_space<hbm>> -> memref<40x125xi32, #tpu.memory_space<hbm>>
      %dma_start3A_23 = arith.constant 0 : i32
      %dma_start3A_24 = arith.constant 0 : i32
      %dma_start3A_25 = tpu.memref_slice %arg2[%add3A, %dma_start3A_23, %dma_start3A_24] : memref<32x80x125xi32, #tpu.memory_space<hbm>> -> memref<1x40x125xi32, #tpu.memory_space<hbm>>
      %dma_start3A_26 = tpu.memref_squeeze %dma_start3A_25 : memref<1x40x125xi32, #tpu.memory_space<hbm>> -> memref<40x125xi32, #tpu.memory_space<hbm>>
      tpu.enqueue_dma source(%dma_start3A_26 : memref<40x125xi32, #tpu.memory_space<hbm>>) target(%arg5 : memref<40x125xi32, #tpu.memory_space<vmem>>) target_semaphore(%run_scoped3A : memref<!tpu.dma_semaphore, #tpu.memory_space<semaphore_mem>>)
      %dma_wait3A = arith.constant 0 : i32
      %dma_wait3A_27 = arith.constant 0 : i32
      %dma_wait3A_28 = tpu.memref_slice %arg2[%add3A, %dma_wait3A, %dma_wait3A_27] : memref<32x80x125xi32, #tpu.memory_space<hbm>> -> memref<1x40x125xi32, #tpu.memory_space<hbm>>
      %dma_wait3A_29 = tpu.memref_squeeze %dma_wait3A_28 : memref<1x40x125xi32, #tpu.memory_space<hbm>> -> memref<40x125xi32, #tpu.memory_space<hbm>>
      %dma_wait3A_30 = arith.constant 0 : i32
      %dma_wait3A_31 = arith.constant 0 : i32
      %dma_wait3A_32 = tpu.memref_slice %arg2[%add3A, %dma_wait3A_30, %dma_wait3A_31] : memref<32x80x125xi32, #tpu.memory_space<hbm>> -> memref<1x40x125xi32, #tpu.memory_space<hbm>>
      %dma_wait3A_33 = tpu.memref_squeeze %dma_wait3A_32 : memref<1x40x125xi32, #tpu.memory_space<hbm>> -> memref<40x125xi32, #tpu.memory_space<hbm>>
      tpu.wait_dma2 semaphore(%run_scoped3A : memref<!tpu.dma_semaphore, #tpu.memory_space<semaphore_mem>>) src(%dma_wait3A_33 : memref<40x125xi32, #tpu.memory_space<hbm>>) dst(%arg5 : memref<40x125xi32, #tpu.memory_space<vmem>>)
      tpu.yield
    }) : () -> ()
    %scan3A_7 = arith.constant 0 : i32
    %scan3A_8 = arith.constant 40 : i32
    %scan3A_9 = arith.addi %scan3A_7, %scan3A_8 : i32
    %scan3A_10 = arith.constant 1 : i32
    scf.for %scan3A_20 = %scan3A_7 to %scan3A_9 step %scan3A_10  : i32 {
      %mul3A_21 = arith.constant 1 : i32
      %mul3A_22 = arith.muli %scan3A_20, %mul3A_21 : i32
      %add3A_23 = arith.constant 0 : i32
      %add3A_24 = arith.addi %add3A_23, %mul3A_22 : i32
      "tpu.region"() ({
        %run_scoped3A = tpu.sem_alloc : memref<!tpu.dma_semaphore, #tpu.memory_space<semaphore_mem>>
        %dma_start3A = arith.constant 0 : i32
        %dma_start3A_25 = tpu.memref_slice %arg5[%add3A_24, %dma_start3A] : memref<40x125xi32, #tpu.memory_space<vmem>> -> memref<1x125xi32, #tpu.memory_space<vmem>>
        %dma_start3A_26 = tpu.memref_squeeze %dma_start3A_25 : memref<1x125xi32, #tpu.memory_space<vmem>> -> memref<125xi32, #tpu.memory_space<vmem>>
        %dma_start3A_27 = arith.constant 0 : i32
        %dma_start3A_28 = arith.constant 0 : i32
        %dma_start3A_29 = tpu.memref_slice %arg7[%dma_start3A_27, %dma_start3A_28] : memref<10000x128xf32, #tpu.memory_space<vmem_shared>> -> memref<10000x128xf32, #tpu.memory_space<vmem_shared>>
        tpu.enqueue_indirect_dma source(%arg6 : memref<125x128xf32, #tpu.memory_space<vmem>>) target(%dma_start3A_29 : memref<10000x128xf32, #tpu.memory_space<vmem_shared>>) offsets(%dma_start3A_26 : memref<125xi32, #tpu.memory_space<vmem>>) semaphore(%run_scoped3A : memref<!tpu.dma_semaphore, #tpu.memory_space<semaphore_mem>>) {add = true}
        %dma_wait3A = arith.constant 0 : i32
        %dma_wait3A_30 = tpu.memref_slice %arg5[%add3A_24, %dma_wait3A] : memref<40x125xi32, #tpu.memory_space<vmem>> -> memref<1x125xi32, #tpu.memory_space<vmem>>
        %dma_wait3A_31 = tpu.memref_squeeze %dma_wait3A_30 : memref<1x125xi32, #tpu.memory_space<vmem>> -> memref<125xi32, #tpu.memory_space<vmem>>
        %dma_wait3A_32 = arith.constant 0 : i32
        %dma_wait3A_33 = arith.constant 0 : i32
        %dma_wait3A_34 = tpu.memref_slice %arg7[%dma_wait3A_32, %dma_wait3A_33] : memref<10000x128xf32, #tpu.memory_space<vmem_shared>> -> memref<10000x128xf32, #tpu.memory_space<vmem_shared>>
        tpu.wait_indirect_dma semaphore(%run_scoped3A : memref<!tpu.dma_semaphore, #tpu.memory_space<semaphore_mem>>) src(%arg6 : memref<125x128xf32, #tpu.memory_space<vmem>>) dst(%dma_wait3A_34 : memref<10000x128xf32, #tpu.memory_space<vmem_shared>>)
        tpu.yield
      }) : () -> ()
    }
    %scan3A_11 = arith.constant 40 : i32
    "tpu.region"() ({
      %run_scoped3A = tpu.sem_alloc : memref<!tpu.dma_semaphore, #tpu.memory_space<semaphore_mem>>
      %dma_start3A = arith.constant 40 : i32
      %dma_start3A_20 = arith.constant 0 : i32
      %dma_start3A_21 = tpu.memref_slice %arg2[%add3A, %dma_start3A, %dma_start3A_20] : memref<32x80x125xi32, #tpu.memory_space<hbm>> -> memref<1x40x125xi32, #tpu.memory_space<hbm>>
      %dma_start3A_22 = tpu.memref_squeeze %dma_start3A_21 : memref<1x40x125xi32, #tpu.memory_space<hbm>> -> memref<40x125xi32, #tpu.memory_space<hbm>>
      %dma_start3A_23 = arith.constant 40 : i32
      %dma_start3A_24 = arith.constant 0 : i32
      %dma_start3A_25 = tpu.memref_slice %arg2[%add3A, %dma_start3A_23, %dma_start3A_24] : memref<32x80x125xi32, #tpu.memory_space<hbm>> -> memref<1x40x125xi32, #tpu.memory_space<hbm>>
      %dma_start3A_26 = tpu.memref_squeeze %dma_start3A_25 : memref<1x40x125xi32, #tpu.memory_space<hbm>> -> memref<40x125xi32, #tpu.memory_space<hbm>>
      tpu.enqueue_dma source(%dma_start3A_26 : memref<40x125xi32, #tpu.memory_space<hbm>>) target(%arg5 : memref<40x125xi32, #tpu.memory_space<vmem>>) target_semaphore(%run_scoped3A : memref<!tpu.dma_semaphore, #tpu.memory_space<semaphore_mem>>)
      %dma_wait3A = arith.constant 40 : i32
      %dma_wait3A_27 = arith.constant 0 : i32
      %dma_wait3A_28 = tpu.memref_slice %arg2[%add3A, %dma_wait3A, %dma_wait3A_27] : memref<32x80x125xi32, #tpu.memory_space<hbm>> -> memref<1x40x125xi32, #tpu.memory_space<hbm>>
      %dma_wait3A_29 = tpu.memref_squeeze %dma_wait3A_28 : memref<1x40x125xi32, #tpu.memory_space<hbm>> -> memref<40x125xi32, #tpu.memory_space<hbm>>
      %dma_wait3A_30 = arith.constant 40 : i32
      %dma_wait3A_31 = arith.constant 0 : i32
      %dma_wait3A_32 = tpu.memref_slice %arg2[%add3A, %dma_wait3A_30, %dma_wait3A_31] : memref<32x80x125xi32, #tpu.memory_space<hbm>> -> memref<1x40x125xi32, #tpu.memory_space<hbm>>
      %dma_wait3A_33 = tpu.memref_squeeze %dma_wait3A_32 : memref<1x40x125xi32, #tpu.memory_space<hbm>> -> memref<40x125xi32, #tpu.memory_space<hbm>>
      tpu.wait_dma2 semaphore(%run_scoped3A : memref<!tpu.dma_semaphore, #tpu.memory_space<semaphore_mem>>) src(%dma_wait3A_33 : memref<40x125xi32, #tpu.memory_space<hbm>>) dst(%arg5 : memref<40x125xi32, #tpu.memory_space<vmem>>)
      tpu.yield
    }) : () -> ()
    %scan3A_12 = arith.constant 0 : i32
    %scan3A_13 = arith.constant 40 : i32
    %scan3A_14 = arith.addi %scan3A_12, %scan3A_13 : i32
    %scan3A_15 = arith.constant 1 : i32
    scf.for %scan3A_20 = %scan3A_12 to %scan3A_14 step %scan3A_15  : i32 {
      %mul3A_21 = arith.constant 1 : i32
      %mul3A_22 = arith.muli %scan3A_20, %mul3A_21 : i32
      %add3A_23 = arith.constant 0 : i32
      %add3A_24 = arith.addi %add3A_23, %mul3A_22 : i32
      "tpu.region"() ({
        %run_scoped3A = tpu.sem_alloc : memref<!tpu.dma_semaphore, #tpu.memory_space<semaphore_mem>>
        %dma_start3A = arith.constant 0 : i32
        %dma_start3A_25 = tpu.memref_slice %arg5[%add3A_24, %dma_start3A] : memref<40x125xi32, #tpu.memory_space<vmem>> -> memref<1x125xi32, #tpu.memory_space<vmem>>
        %dma_start3A_26 = tpu.memref_squeeze %dma_start3A_25 : memref<1x125xi32, #tpu.memory_space<vmem>> -> memref<125xi32, #tpu.memory_space<vmem>>
        %dma_start3A_27 = arith.constant 0 : i32
        %dma_start3A_28 = arith.constant 0 : i32
        %dma_start3A_29 = tpu.memref_slice %arg7[%dma_start3A_27, %dma_start3A_28] : memref<10000x128xf32, #tpu.memory_space<vmem_shared>> -> memref<10000x128xf32, #tpu.memory_space<vmem_shared>>
        tpu.enqueue_indirect_dma source(%arg6 : memref<125x128xf32, #tpu.memory_space<vmem>>) target(%dma_start3A_29 : memref<10000x128xf32, #tpu.memory_space<vmem_shared>>) offsets(%dma_start3A_26 : memref<125xi32, #tpu.memory_space<vmem>>) semaphore(%run_scoped3A : memref<!tpu.dma_semaphore, #tpu.memory_space<semaphore_mem>>) {add = true}
        %dma_wait3A = arith.constant 0 : i32
        %dma_wait3A_30 = tpu.memref_slice %arg5[%add3A_24, %dma_wait3A] : memref<40x125xi32, #tpu.memory_space<vmem>> -> memref<1x125xi32, #tpu.memory_space<vmem>>
        %dma_wait3A_31 = tpu.memref_squeeze %dma_wait3A_30 : memref<1x125xi32, #tpu.memory_space<vmem>> -> memref<125xi32, #tpu.memory_space<vmem>>
        %dma_wait3A_32 = arith.constant 0 : i32
        %dma_wait3A_33 = arith.constant 0 : i32
        %dma_wait3A_34 = tpu.memref_slice %arg7[%dma_wait3A_32, %dma_wait3A_33] : memref<10000x128xf32, #tpu.memory_space<vmem_shared>> -> memref<10000x128xf32, #tpu.memory_space<vmem_shared>>
        tpu.wait_indirect_dma semaphore(%run_scoped3A : memref<!tpu.dma_semaphore, #tpu.memory_space<semaphore_mem>>) src(%arg6 : memref<125x128xf32, #tpu.memory_space<vmem>>) dst(%dma_wait3A_34 : memref<10000x128xf32, #tpu.memory_space<vmem_shared>>)
        tpu.yield
      }) : () -> ()
    }
    %scan3A_16 = arith.constant 40 : i32
    %barrier3A_17 = arith.constant 0 : index
    tpu.barrier barrier_id(%barrier3A_17)
    %mul3A_18 = arith.constant 625 : i32
    %mul3A_19 = arith.muli %arg1, %mul3A_18 : i32
    "tpu.region"() ({
      %run_scoped3A = tpu.sem_alloc : memref<!tpu.dma_semaphore, #tpu.memory_space<semaphore_mem>>
      %dma_start3A = arith.constant 0 : i32
      %dma_start3A_20 = arith.constant 0 : i32
      %dma_start3A_21 = tpu.memref_slice %arg4[%arg0, %arg1, %dma_start3A, %dma_start3A_20] : memref<2x16x625x128xf32, #tpu.memory_space<hbm>> -> memref<1x1x625x128xf32, #tpu.memory_space<hbm>>
      %dma_start3A_22 = tpu.memref_squeeze %dma_start3A_21 : memref<1x1x625x128xf32, #tpu.memory_space<hbm>> -> memref<625x128xf32, #tpu.memory_space<hbm>>
      %dma_start3A_23 = arith.constant 0 : i32
      %dma_start3A_24 = tpu.memref_slice %arg7[%mul3A_19, %dma_start3A_23] : memref<10000x128xf32, #tpu.memory_space<vmem_shared>> -> memref<625x128xf32, #tpu.memory_space<vmem_shared>>
      tpu.enqueue_dma source(%dma_start3A_24 : memref<625x128xf32, #tpu.memory_space<vmem_shared>>) target(%dma_start3A_22 : memref<625x128xf32, #tpu.memory_space<hbm>>) target_semaphore(%run_scoped3A : memref<!tpu.dma_semaphore, #tpu.memory_space<semaphore_mem>>)
      %dma_wait3A = arith.constant 0 : i32
      %dma_wait3A_25 = arith.constant 0 : i32
      %dma_wait3A_26 = tpu.memref_slice %arg4[%arg0, %arg1, %dma_wait3A, %dma_wait3A_25] : memref<2x16x625x128xf32, #tpu.memory_space<hbm>> -> memref<1x1x625x128xf32, #tpu.memory_space<hbm>>
      %dma_wait3A_27 = tpu.memref_squeeze %dma_wait3A_26 : memref<1x1x625x128xf32, #tpu.memory_space<hbm>> -> memref<625x128xf32, #tpu.memory_space<hbm>>
      %dma_wait3A_28 = arith.constant 0 : i32
      %dma_wait3A_29 = tpu.memref_slice %arg7[%mul3A_19, %dma_wait3A_28] : memref<10000x128xf32, #tpu.memory_space<vmem_shared>> -> memref<625x128xf32, #tpu.memory_space<vmem_shared>>
      tpu.wait_dma2 semaphore(%run_scoped3A : memref<!tpu.dma_semaphore, #tpu.memory_space<semaphore_mem>>) src(%dma_wait3A_29 : memref<625x128xf32, #tpu.memory_space<vmem_shared>>) dst(%dma_wait3A_27 : memref<625x128xf32, #tpu.memory_space<hbm>>)
      tpu.yield
    }) : () -> ()
    return
  }
}

#map = affine_map<(d0, d1) -> (0, 0)>
#map1 = affine_map<(d0, d1) -> (0, 0, 0)>
#map2 = affine_map<(d0, d1) -> (0, 0, 0, 0)>
module attributes {stable_mosaic.version = 14 : i64} {
  func.func @scat_kernel(%arg0: i32, %arg1: i32, %arg2: memref<10000x128xf32, #tpu.memory_space<hbm>>, %arg3: memref<32x80x125xi32, #tpu.memory_space<hbm>>, %arg4: memref<32x80x125xi32, #tpu.memory_space<hbm>>, %arg5: memref<625x128xf32, #tpu.memory_space<hbm>>, %arg6: memref<2x16x625x128xf32, #tpu.memory_space<hbm>>, %arg7: memref<40x125xi32, #tpu.memory_space<vmem>>, %arg8: memref<40x125xi32, #tpu.memory_space<vmem>>, %arg9: memref<125x128xf32, #tpu.memory_space<vmem>>, %arg10: memref<125x128xf32, #tpu.memory_space<vmem>>, %arg11: memref<10000x128xf32, #tpu.memory_space<vmem_shared>>, %arg12: memref<!tpu.dma_semaphore, #tpu.memory_space<semaphore_mem>>, %arg13: memref<!tpu.dma_semaphore, #tpu.memory_space<semaphore_mem>>) attributes {dimension_semantics = [#tpu.dimension_semantics<core_parallel>, #tpu.dimension_semantics<subcore_parallel>], iteration_bounds = array<i64: 2, 16>, scalar_prefetch = 0 : i64, scratch_operands = 7 : i64, tpu.core_type = #tpu.core_type<sc_vector_subcore>, window_params = [{transform_indices = #map}, {transform_indices = #map1}, {transform_indices = #map1}, {transform_indices = #map}, {transform_indices = #map2}]} {
    %mul3A = arith.constant 16 : i32
    %mul3A_0 = arith.muli %arg0, %mul3A : i32
    %add3A = arith.addi %mul3A_0, %arg1 : i32
    %mul3A_1 = arith.constant 625 : i32
    %mul3A_2 = arith.muli %arg1, %mul3A_1 : i32
    "tpu.region"() ({
      %run_scoped3A = tpu.sem_alloc : memref<!tpu.dma_semaphore, #tpu.memory_space<semaphore_mem>>
      %dma_start3A = arith.constant 0 : i32
      %dma_start3A_15 = tpu.memref_slice %arg11[%mul3A_2, %dma_start3A] : memref<10000x128xf32, #tpu.memory_space<vmem_shared>> -> memref<625x128xf32, #tpu.memory_space<vmem_shared>>
      tpu.enqueue_dma source(%arg5 : memref<625x128xf32, #tpu.memory_space<hbm>>) target(%dma_start3A_15 : memref<625x128xf32, #tpu.memory_space<vmem_shared>>) target_semaphore(%run_scoped3A : memref<!tpu.dma_semaphore, #tpu.memory_space<semaphore_mem>>)
      %dma_wait3A = arith.constant 0 : i32
      %dma_wait3A_16 = tpu.memref_slice %arg11[%mul3A_2, %dma_wait3A] : memref<10000x128xf32, #tpu.memory_space<vmem_shared>> -> memref<625x128xf32, #tpu.memory_space<vmem_shared>>
      tpu.wait_dma2 semaphore(%run_scoped3A : memref<!tpu.dma_semaphore, #tpu.memory_space<semaphore_mem>>) src(%arg5 : memref<625x128xf32, #tpu.memory_space<hbm>>) dst(%dma_wait3A_16 : memref<625x128xf32, #tpu.memory_space<vmem_shared>>)
      tpu.yield
    }) : () -> ()
    %barrier3A = arith.constant 0 : index
    tpu.barrier barrier_id(%barrier3A)
    "tpu.region"() ({
      %run_scoped3A = tpu.sem_alloc : memref<!tpu.dma_semaphore, #tpu.memory_space<semaphore_mem>>
      %dma_start3A = arith.constant 0 : i32
      %dma_start3A_15 = arith.constant 0 : i32
      %dma_start3A_16 = tpu.memref_slice %arg3[%add3A, %dma_start3A, %dma_start3A_15] : memref<32x80x125xi32, #tpu.memory_space<hbm>> -> memref<1x40x125xi32, #tpu.memory_space<hbm>>
      %dma_start3A_17 = tpu.memref_squeeze %dma_start3A_16 : memref<1x40x125xi32, #tpu.memory_space<hbm>> -> memref<40x125xi32, #tpu.memory_space<hbm>>
      %dma_start3A_18 = arith.constant 0 : i32
      %dma_start3A_19 = arith.constant 0 : i32
      %dma_start3A_20 = tpu.memref_slice %arg3[%add3A, %dma_start3A_18, %dma_start3A_19] : memref<32x80x125xi32, #tpu.memory_space<hbm>> -> memref<1x40x125xi32, #tpu.memory_space<hbm>>
      %dma_start3A_21 = tpu.memref_squeeze %dma_start3A_20 : memref<1x40x125xi32, #tpu.memory_space<hbm>> -> memref<40x125xi32, #tpu.memory_space<hbm>>
      tpu.enqueue_dma source(%dma_start3A_21 : memref<40x125xi32, #tpu.memory_space<hbm>>) target(%arg7 : memref<40x125xi32, #tpu.memory_space<vmem>>) target_semaphore(%run_scoped3A : memref<!tpu.dma_semaphore, #tpu.memory_space<semaphore_mem>>)
      %dma_wait3A = arith.constant 0 : i32
      %dma_wait3A_22 = arith.constant 0 : i32
      %dma_wait3A_23 = tpu.memref_slice %arg3[%add3A, %dma_wait3A, %dma_wait3A_22] : memref<32x80x125xi32, #tpu.memory_space<hbm>> -> memref<1x40x125xi32, #tpu.memory_space<hbm>>
      %dma_wait3A_24 = tpu.memref_squeeze %dma_wait3A_23 : memref<1x40x125xi32, #tpu.memory_space<hbm>> -> memref<40x125xi32, #tpu.memory_space<hbm>>
      %dma_wait3A_25 = arith.constant 0 : i32
      %dma_wait3A_26 = arith.constant 0 : i32
      %dma_wait3A_27 = tpu.memref_slice %arg3[%add3A, %dma_wait3A_25, %dma_wait3A_26] : memref<32x80x125xi32, #tpu.memory_space<hbm>> -> memref<1x40x125xi32, #tpu.memory_space<hbm>>
      %dma_wait3A_28 = tpu.memref_squeeze %dma_wait3A_27 : memref<1x40x125xi32, #tpu.memory_space<hbm>> -> memref<40x125xi32, #tpu.memory_space<hbm>>
      tpu.wait_dma2 semaphore(%run_scoped3A : memref<!tpu.dma_semaphore, #tpu.memory_space<semaphore_mem>>) src(%dma_wait3A_28 : memref<40x125xi32, #tpu.memory_space<hbm>>) dst(%arg7 : memref<40x125xi32, #tpu.memory_space<vmem>>)
      tpu.yield
    }) : () -> ()
    "tpu.region"() ({
      %run_scoped3A = tpu.sem_alloc : memref<!tpu.dma_semaphore, #tpu.memory_space<semaphore_mem>>
      %dma_start3A = arith.constant 0 : i32
      %dma_start3A_15 = arith.constant 0 : i32
      %dma_start3A_16 = tpu.memref_slice %arg4[%add3A, %dma_start3A, %dma_start3A_15] : memref<32x80x125xi32, #tpu.memory_space<hbm>> -> memref<1x40x125xi32, #tpu.memory_space<hbm>>
      %dma_start3A_17 = tpu.memref_squeeze %dma_start3A_16 : memref<1x40x125xi32, #tpu.memory_space<hbm>> -> memref<40x125xi32, #tpu.memory_space<hbm>>
      %dma_start3A_18 = arith.constant 0 : i32
      %dma_start3A_19 = arith.constant 0 : i32
      %dma_start3A_20 = tpu.memref_slice %arg4[%add3A, %dma_start3A_18, %dma_start3A_19] : memref<32x80x125xi32, #tpu.memory_space<hbm>> -> memref<1x40x125xi32, #tpu.memory_space<hbm>>
      %dma_start3A_21 = tpu.memref_squeeze %dma_start3A_20 : memref<1x40x125xi32, #tpu.memory_space<hbm>> -> memref<40x125xi32, #tpu.memory_space<hbm>>
      tpu.enqueue_dma source(%dma_start3A_21 : memref<40x125xi32, #tpu.memory_space<hbm>>) target(%arg8 : memref<40x125xi32, #tpu.memory_space<vmem>>) target_semaphore(%run_scoped3A : memref<!tpu.dma_semaphore, #tpu.memory_space<semaphore_mem>>)
      %dma_wait3A = arith.constant 0 : i32
      %dma_wait3A_22 = arith.constant 0 : i32
      %dma_wait3A_23 = tpu.memref_slice %arg4[%add3A, %dma_wait3A, %dma_wait3A_22] : memref<32x80x125xi32, #tpu.memory_space<hbm>> -> memref<1x40x125xi32, #tpu.memory_space<hbm>>
      %dma_wait3A_24 = tpu.memref_squeeze %dma_wait3A_23 : memref<1x40x125xi32, #tpu.memory_space<hbm>> -> memref<40x125xi32, #tpu.memory_space<hbm>>
      %dma_wait3A_25 = arith.constant 0 : i32
      %dma_wait3A_26 = arith.constant 0 : i32
      %dma_wait3A_27 = tpu.memref_slice %arg4[%add3A, %dma_wait3A_25, %dma_wait3A_26] : memref<32x80x125xi32, #tpu.memory_space<hbm>> -> memref<1x40x125xi32, #tpu.memory_space<hbm>>
      %dma_wait3A_28 = tpu.memref_squeeze %dma_wait3A_27 : memref<1x40x125xi32, #tpu.memory_space<hbm>> -> memref<40x125xi32, #tpu.memory_space<hbm>>
      tpu.wait_dma2 semaphore(%run_scoped3A : memref<!tpu.dma_semaphore, #tpu.memory_space<semaphore_mem>>) src(%dma_wait3A_28 : memref<40x125xi32, #tpu.memory_space<hbm>>) dst(%arg8 : memref<40x125xi32, #tpu.memory_space<vmem>>)
      tpu.yield
    }) : () -> ()
    %scan3A = arith.constant 0 : i32
    %scan3A_3 = arith.constant 20 : i32
    %scan3A_4 = arith.addi %scan3A, %scan3A_3 : i32
    %scan3A_5 = arith.constant 1 : i32
    scf.for %scan3A_15 = %scan3A to %scan3A_4 step %scan3A_5  : i32 {
      %mul3A_16 = arith.constant 1 : i32
      %mul3A_17 = arith.muli %scan3A_15, %mul3A_16 : i32
      %add3A_18 = arith.constant 0 : i32
      %add3A_19 = arith.addi %add3A_18, %mul3A_17 : i32
      %mul3A_20 = arith.constant 2 : i32
      %mul3A_21 = arith.muli %add3A_19, %mul3A_20 : i32
      %dma_start3A = arith.constant 0 : i32
      %dma_start3A_22 = tpu.memref_slice %arg7[%mul3A_21, %dma_start3A] : memref<40x125xi32, #tpu.memory_space<vmem>> -> memref<1x125xi32, #tpu.memory_space<vmem>>
      %dma_start3A_23 = tpu.memref_squeeze %dma_start3A_22 : memref<1x125xi32, #tpu.memory_space<vmem>> -> memref<125xi32, #tpu.memory_space<vmem>>
      %dma_start3A_24 = arith.constant 0 : i32
      %dma_start3A_25 = arith.constant 0 : i32
      %dma_start3A_26 = tpu.memref_slice %arg2[%dma_start3A_24, %dma_start3A_25] : memref<10000x128xf32, #tpu.memory_space<hbm>> -> memref<10000x128xf32, #tpu.memory_space<hbm>>
      tpu.enqueue_indirect_dma source(%dma_start3A_26 : memref<10000x128xf32, #tpu.memory_space<hbm>>) target(%arg9 : memref<125x128xf32, #tpu.memory_space<vmem>>) offsets(%dma_start3A_23 : memref<125xi32, #tpu.memory_space<vmem>>) semaphore(%arg12 : memref<!tpu.dma_semaphore, #tpu.memory_space<semaphore_mem>>)
      %add3A_27 = arith.constant 1 : i32
      %add3A_28 = arith.addi %mul3A_21, %add3A_27 : i32
      %dma_start3A_29 = arith.constant 0 : i32
      %dma_start3A_30 = tpu.memref_slice %arg7[%add3A_28, %dma_start3A_29] : memref<40x125xi32, #tpu.memory_space<vmem>> -> memref<1x125xi32, #tpu.memory_space<vmem>>
      %dma_start3A_31 = tpu.memref_squeeze %dma_start3A_30 : memref<1x125xi32, #tpu.memory_space<vmem>> -> memref<125xi32, #tpu.memory_space<vmem>>
      %dma_start3A_32 = arith.constant 0 : i32
      %dma_start3A_33 = arith.constant 0 : i32
      %dma_start3A_34 = tpu.memref_slice %arg2[%dma_start3A_32, %dma_start3A_33] : memref<10000x128xf32, #tpu.memory_space<hbm>> -> memref<10000x128xf32, #tpu.memory_space<hbm>>
      tpu.enqueue_indirect_dma source(%dma_start3A_34 : memref<10000x128xf32, #tpu.memory_space<hbm>>) target(%arg10 : memref<125x128xf32, #tpu.memory_space<vmem>>) offsets(%dma_start3A_31 : memref<125xi32, #tpu.memory_space<vmem>>) semaphore(%arg13 : memref<!tpu.dma_semaphore, #tpu.memory_space<semaphore_mem>>)
      %dma_wait3A = arith.constant 0 : i32
      %dma_wait3A_35 = tpu.memref_slice %arg7[%mul3A_21, %dma_wait3A] : memref<40x125xi32, #tpu.memory_space<vmem>> -> memref<1x125xi32, #tpu.memory_space<vmem>>
      %dma_wait3A_36 = tpu.memref_squeeze %dma_wait3A_35 : memref<1x125xi32, #tpu.memory_space<vmem>> -> memref<125xi32, #tpu.memory_space<vmem>>
      %dma_wait3A_37 = arith.constant 0 : i32
      %dma_wait3A_38 = arith.constant 0 : i32
      %dma_wait3A_39 = tpu.memref_slice %arg2[%dma_wait3A_37, %dma_wait3A_38] : memref<10000x128xf32, #tpu.memory_space<hbm>> -> memref<10000x128xf32, #tpu.memory_space<hbm>>
      tpu.wait_indirect_dma semaphore(%arg12 : memref<!tpu.dma_semaphore, #tpu.memory_space<semaphore_mem>>) src(%dma_wait3A_39 : memref<10000x128xf32, #tpu.memory_space<hbm>>) dst(%arg9 : memref<125x128xf32, #tpu.memory_space<vmem>>)
      "tpu.region"() ({
        %run_scoped3A = tpu.sem_alloc : memref<!tpu.dma_semaphore, #tpu.memory_space<semaphore_mem>>
        %dma_start3A_48 = arith.constant 0 : i32
        %dma_start3A_49 = tpu.memref_slice %arg8[%mul3A_21, %dma_start3A_48] : memref<40x125xi32, #tpu.memory_space<vmem>> -> memref<1x125xi32, #tpu.memory_space<vmem>>
        %dma_start3A_50 = tpu.memref_squeeze %dma_start3A_49 : memref<1x125xi32, #tpu.memory_space<vmem>> -> memref<125xi32, #tpu.memory_space<vmem>>
        %dma_start3A_51 = arith.constant 0 : i32
        %dma_start3A_52 = arith.constant 0 : i32
        %dma_start3A_53 = tpu.memref_slice %arg11[%dma_start3A_51, %dma_start3A_52] : memref<10000x128xf32, #tpu.memory_space<vmem_shared>> -> memref<10000x128xf32, #tpu.memory_space<vmem_shared>>
        tpu.enqueue_indirect_dma source(%arg9 : memref<125x128xf32, #tpu.memory_space<vmem>>) target(%dma_start3A_53 : memref<10000x128xf32, #tpu.memory_space<vmem_shared>>) offsets(%dma_start3A_50 : memref<125xi32, #tpu.memory_space<vmem>>) semaphore(%run_scoped3A : memref<!tpu.dma_semaphore, #tpu.memory_space<semaphore_mem>>) {add = true}
        %dma_wait3A_54 = arith.constant 0 : i32
        %dma_wait3A_55 = tpu.memref_slice %arg8[%mul3A_21, %dma_wait3A_54] : memref<40x125xi32, #tpu.memory_space<vmem>> -> memref<1x125xi32, #tpu.memory_space<vmem>>
        %dma_wait3A_56 = tpu.memref_squeeze %dma_wait3A_55 : memref<1x125xi32, #tpu.memory_space<vmem>> -> memref<125xi32, #tpu.memory_space<vmem>>
        %dma_wait3A_57 = arith.constant 0 : i32
        %dma_wait3A_58 = arith.constant 0 : i32
        %dma_wait3A_59 = tpu.memref_slice %arg11[%dma_wait3A_57, %dma_wait3A_58] : memref<10000x128xf32, #tpu.memory_space<vmem_shared>> -> memref<10000x128xf32, #tpu.memory_space<vmem_shared>>
        tpu.wait_indirect_dma semaphore(%run_scoped3A : memref<!tpu.dma_semaphore, #tpu.memory_space<semaphore_mem>>) src(%arg9 : memref<125x128xf32, #tpu.memory_space<vmem>>) dst(%dma_wait3A_59 : memref<10000x128xf32, #tpu.memory_space<vmem_shared>>)
        tpu.yield
      }) : () -> ()
      %dma_wait3A_40 = arith.constant 0 : i32
      %dma_wait3A_41 = tpu.memref_slice %arg7[%add3A_28, %dma_wait3A_40] : memref<40x125xi32, #tpu.memory_space<vmem>> -> memref<1x125xi32, #tpu.memory_space<vmem>>
      %dma_wait3A_42 = tpu.memref_squeeze %dma_wait3A_41 : memref<1x125xi32, #tpu.memory_space<vmem>> -> memref<125xi32, #tpu.memory_space<vmem>>
      %dma_wait3A_43 = arith.constant 0 : i32
      %dma_wait3A_44 = arith.constant 0 : i32
      %dma_wait3A_45 = tpu.memref_slice %arg2[%dma_wait3A_43, %dma_wait3A_44] : memref<10000x128xf32, #tpu.memory_space<hbm>> -> memref<10000x128xf32, #tpu.memory_space<hbm>>
      tpu.wait_indirect_dma semaphore(%arg13 : memref<!tpu.dma_semaphore, #tpu.memory_space<semaphore_mem>>) src(%dma_wait3A_45 : memref<10000x128xf32, #tpu.memory_space<hbm>>) dst(%arg10 : memref<125x128xf32, #tpu.memory_space<vmem>>)
      %add3A_46 = arith.constant 1 : i32
      %add3A_47 = arith.addi %mul3A_21, %add3A_46 : i32
      "tpu.region"() ({
        %run_scoped3A = tpu.sem_alloc : memref<!tpu.dma_semaphore, #tpu.memory_space<semaphore_mem>>
        %dma_start3A_48 = arith.constant 0 : i32
        %dma_start3A_49 = tpu.memref_slice %arg8[%add3A_47, %dma_start3A_48] : memref<40x125xi32, #tpu.memory_space<vmem>> -> memref<1x125xi32, #tpu.memory_space<vmem>>
        %dma_start3A_50 = tpu.memref_squeeze %dma_start3A_49 : memref<1x125xi32, #tpu.memory_space<vmem>> -> memref<125xi32, #tpu.memory_space<vmem>>
        %dma_start3A_51 = arith.constant 0 : i32
        %dma_start3A_52 = arith.constant 0 : i32
        %dma_start3A_53 = tpu.memref_slice %arg11[%dma_start3A_51, %dma_start3A_52] : memref<10000x128xf32, #tpu.memory_space<vmem_shared>> -> memref<10000x128xf32, #tpu.memory_space<vmem_shared>>
        tpu.enqueue_indirect_dma source(%arg10 : memref<125x128xf32, #tpu.memory_space<vmem>>) target(%dma_start3A_53 : memref<10000x128xf32, #tpu.memory_space<vmem_shared>>) offsets(%dma_start3A_50 : memref<125xi32, #tpu.memory_space<vmem>>) semaphore(%run_scoped3A : memref<!tpu.dma_semaphore, #tpu.memory_space<semaphore_mem>>) {add = true}
        %dma_wait3A_54 = arith.constant 0 : i32
        %dma_wait3A_55 = tpu.memref_slice %arg8[%add3A_47, %dma_wait3A_54] : memref<40x125xi32, #tpu.memory_space<vmem>> -> memref<1x125xi32, #tpu.memory_space<vmem>>
        %dma_wait3A_56 = tpu.memref_squeeze %dma_wait3A_55 : memref<1x125xi32, #tpu.memory_space<vmem>> -> memref<125xi32, #tpu.memory_space<vmem>>
        %dma_wait3A_57 = arith.constant 0 : i32
        %dma_wait3A_58 = arith.constant 0 : i32
        %dma_wait3A_59 = tpu.memref_slice %arg11[%dma_wait3A_57, %dma_wait3A_58] : memref<10000x128xf32, #tpu.memory_space<vmem_shared>> -> memref<10000x128xf32, #tpu.memory_space<vmem_shared>>
        tpu.wait_indirect_dma semaphore(%run_scoped3A : memref<!tpu.dma_semaphore, #tpu.memory_space<semaphore_mem>>) src(%arg10 : memref<125x128xf32, #tpu.memory_space<vmem>>) dst(%dma_wait3A_59 : memref<10000x128xf32, #tpu.memory_space<vmem_shared>>)
        tpu.yield
      }) : () -> ()
    }
    %scan3A_6 = arith.constant 20 : i32
    "tpu.region"() ({
      %run_scoped3A = tpu.sem_alloc : memref<!tpu.dma_semaphore, #tpu.memory_space<semaphore_mem>>
      %dma_start3A = arith.constant 40 : i32
      %dma_start3A_15 = arith.constant 0 : i32
      %dma_start3A_16 = tpu.memref_slice %arg3[%add3A, %dma_start3A, %dma_start3A_15] : memref<32x80x125xi32, #tpu.memory_space<hbm>> -> memref<1x40x125xi32, #tpu.memory_space<hbm>>
      %dma_start3A_17 = tpu.memref_squeeze %dma_start3A_16 : memref<1x40x125xi32, #tpu.memory_space<hbm>> -> memref<40x125xi32, #tpu.memory_space<hbm>>
      %dma_start3A_18 = arith.constant 40 : i32
      %dma_start3A_19 = arith.constant 0 : i32
      %dma_start3A_20 = tpu.memref_slice %arg3[%add3A, %dma_start3A_18, %dma_start3A_19] : memref<32x80x125xi32, #tpu.memory_space<hbm>> -> memref<1x40x125xi32, #tpu.memory_space<hbm>>
      %dma_start3A_21 = tpu.memref_squeeze %dma_start3A_20 : memref<1x40x125xi32, #tpu.memory_space<hbm>> -> memref<40x125xi32, #tpu.memory_space<hbm>>
      tpu.enqueue_dma source(%dma_start3A_21 : memref<40x125xi32, #tpu.memory_space<hbm>>) target(%arg7 : memref<40x125xi32, #tpu.memory_space<vmem>>) target_semaphore(%run_scoped3A : memref<!tpu.dma_semaphore, #tpu.memory_space<semaphore_mem>>)
      %dma_wait3A = arith.constant 40 : i32
      %dma_wait3A_22 = arith.constant 0 : i32
      %dma_wait3A_23 = tpu.memref_slice %arg3[%add3A, %dma_wait3A, %dma_wait3A_22] : memref<32x80x125xi32, #tpu.memory_space<hbm>> -> memref<1x40x125xi32, #tpu.memory_space<hbm>>
      %dma_wait3A_24 = tpu.memref_squeeze %dma_wait3A_23 : memref<1x40x125xi32, #tpu.memory_space<hbm>> -> memref<40x125xi32, #tpu.memory_space<hbm>>
      %dma_wait3A_25 = arith.constant 40 : i32
      %dma_wait3A_26 = arith.constant 0 : i32
      %dma_wait3A_27 = tpu.memref_slice %arg3[%add3A, %dma_wait3A_25, %dma_wait3A_26] : memref<32x80x125xi32, #tpu.memory_space<hbm>> -> memref<1x40x125xi32, #tpu.memory_space<hbm>>
      %dma_wait3A_28 = tpu.memref_squeeze %dma_wait3A_27 : memref<1x40x125xi32, #tpu.memory_space<hbm>> -> memref<40x125xi32, #tpu.memory_space<hbm>>
      tpu.wait_dma2 semaphore(%run_scoped3A : memref<!tpu.dma_semaphore, #tpu.memory_space<semaphore_mem>>) src(%dma_wait3A_28 : memref<40x125xi32, #tpu.memory_space<hbm>>) dst(%arg7 : memref<40x125xi32, #tpu.memory_space<vmem>>)
      tpu.yield
    }) : () -> ()
    "tpu.region"() ({
      %run_scoped3A = tpu.sem_alloc : memref<!tpu.dma_semaphore, #tpu.memory_space<semaphore_mem>>
      %dma_start3A = arith.constant 40 : i32
      %dma_start3A_15 = arith.constant 0 : i32
      %dma_start3A_16 = tpu.memref_slice %arg4[%add3A, %dma_start3A, %dma_start3A_15] : memref<32x80x125xi32, #tpu.memory_space<hbm>> -> memref<1x40x125xi32, #tpu.memory_space<hbm>>
      %dma_start3A_17 = tpu.memref_squeeze %dma_start3A_16 : memref<1x40x125xi32, #tpu.memory_space<hbm>> -> memref<40x125xi32, #tpu.memory_space<hbm>>
      %dma_start3A_18 = arith.constant 40 : i32
      %dma_start3A_19 = arith.constant 0 : i32
      %dma_start3A_20 = tpu.memref_slice %arg4[%add3A, %dma_start3A_18, %dma_start3A_19] : memref<32x80x125xi32, #tpu.memory_space<hbm>> -> memref<1x40x125xi32, #tpu.memory_space<hbm>>
      %dma_start3A_21 = tpu.memref_squeeze %dma_start3A_20 : memref<1x40x125xi32, #tpu.memory_space<hbm>> -> memref<40x125xi32, #tpu.memory_space<hbm>>
      tpu.enqueue_dma source(%dma_start3A_21 : memref<40x125xi32, #tpu.memory_space<hbm>>) target(%arg8 : memref<40x125xi32, #tpu.memory_space<vmem>>) target_semaphore(%run_scoped3A : memref<!tpu.dma_semaphore, #tpu.memory_space<semaphore_mem>>)
      %dma_wait3A = arith.constant 40 : i32
      %dma_wait3A_22 = arith.constant 0 : i32
      %dma_wait3A_23 = tpu.memref_slice %arg4[%add3A, %dma_wait3A, %dma_wait3A_22] : memref<32x80x125xi32, #tpu.memory_space<hbm>> -> memref<1x40x125xi32, #tpu.memory_space<hbm>>
      %dma_wait3A_24 = tpu.memref_squeeze %dma_wait3A_23 : memref<1x40x125xi32, #tpu.memory_space<hbm>> -> memref<40x125xi32, #tpu.memory_space<hbm>>
      %dma_wait3A_25 = arith.constant 40 : i32
      %dma_wait3A_26 = arith.constant 0 : i32
      %dma_wait3A_27 = tpu.memref_slice %arg4[%add3A, %dma_wait3A_25, %dma_wait3A_26] : memref<32x80x125xi32, #tpu.memory_space<hbm>> -> memref<1x40x125xi32, #tpu.memory_space<hbm>>
      %dma_wait3A_28 = tpu.memref_squeeze %dma_wait3A_27 : memref<1x40x125xi32, #tpu.memory_space<hbm>> -> memref<40x125xi32, #tpu.memory_space<hbm>>
      tpu.wait_dma2 semaphore(%run_scoped3A : memref<!tpu.dma_semaphore, #tpu.memory_space<semaphore_mem>>) src(%dma_wait3A_28 : memref<40x125xi32, #tpu.memory_space<hbm>>) dst(%arg8 : memref<40x125xi32, #tpu.memory_space<vmem>>)
      tpu.yield
    }) : () -> ()
    %scan3A_7 = arith.constant 0 : i32
    %scan3A_8 = arith.constant 20 : i32
    %scan3A_9 = arith.addi %scan3A_7, %scan3A_8 : i32
    %scan3A_10 = arith.constant 1 : i32
    scf.for %scan3A_15 = %scan3A_7 to %scan3A_9 step %scan3A_10  : i32 {
      %mul3A_16 = arith.constant 1 : i32
      %mul3A_17 = arith.muli %scan3A_15, %mul3A_16 : i32
      %add3A_18 = arith.constant 0 : i32
      %add3A_19 = arith.addi %add3A_18, %mul3A_17 : i32
      %mul3A_20 = arith.constant 2 : i32
      %mul3A_21 = arith.muli %add3A_19, %mul3A_20 : i32
      %dma_start3A = arith.constant 0 : i32
      %dma_start3A_22 = tpu.memref_slice %arg7[%mul3A_21, %dma_start3A] : memref<40x125xi32, #tpu.memory_space<vmem>> -> memref<1x125xi32, #tpu.memory_space<vmem>>
      %dma_start3A_23 = tpu.memref_squeeze %dma_start3A_22 : memref<1x125xi32, #tpu.memory_space<vmem>> -> memref<125xi32, #tpu.memory_space<vmem>>
      %dma_start3A_24 = arith.constant 0 : i32
      %dma_start3A_25 = arith.constant 0 : i32
      %dma_start3A_26 = tpu.memref_slice %arg2[%dma_start3A_24, %dma_start3A_25] : memref<10000x128xf32, #tpu.memory_space<hbm>> -> memref<10000x128xf32, #tpu.memory_space<hbm>>
      tpu.enqueue_indirect_dma source(%dma_start3A_26 : memref<10000x128xf32, #tpu.memory_space<hbm>>) target(%arg9 : memref<125x128xf32, #tpu.memory_space<vmem>>) offsets(%dma_start3A_23 : memref<125xi32, #tpu.memory_space<vmem>>) semaphore(%arg12 : memref<!tpu.dma_semaphore, #tpu.memory_space<semaphore_mem>>)
      %add3A_27 = arith.constant 1 : i32
      %add3A_28 = arith.addi %mul3A_21, %add3A_27 : i32
      %dma_start3A_29 = arith.constant 0 : i32
      %dma_start3A_30 = tpu.memref_slice %arg7[%add3A_28, %dma_start3A_29] : memref<40x125xi32, #tpu.memory_space<vmem>> -> memref<1x125xi32, #tpu.memory_space<vmem>>
      %dma_start3A_31 = tpu.memref_squeeze %dma_start3A_30 : memref<1x125xi32, #tpu.memory_space<vmem>> -> memref<125xi32, #tpu.memory_space<vmem>>
      %dma_start3A_32 = arith.constant 0 : i32
      %dma_start3A_33 = arith.constant 0 : i32
      %dma_start3A_34 = tpu.memref_slice %arg2[%dma_start3A_32, %dma_start3A_33] : memref<10000x128xf32, #tpu.memory_space<hbm>> -> memref<10000x128xf32, #tpu.memory_space<hbm>>
      tpu.enqueue_indirect_dma source(%dma_start3A_34 : memref<10000x128xf32, #tpu.memory_space<hbm>>) target(%arg10 : memref<125x128xf32, #tpu.memory_space<vmem>>) offsets(%dma_start3A_31 : memref<125xi32, #tpu.memory_space<vmem>>) semaphore(%arg13 : memref<!tpu.dma_semaphore, #tpu.memory_space<semaphore_mem>>)
      %dma_wait3A = arith.constant 0 : i32
      %dma_wait3A_35 = tpu.memref_slice %arg7[%mul3A_21, %dma_wait3A] : memref<40x125xi32, #tpu.memory_space<vmem>> -> memref<1x125xi32, #tpu.memory_space<vmem>>
      %dma_wait3A_36 = tpu.memref_squeeze %dma_wait3A_35 : memref<1x125xi32, #tpu.memory_space<vmem>> -> memref<125xi32, #tpu.memory_space<vmem>>
      %dma_wait3A_37 = arith.constant 0 : i32
      %dma_wait3A_38 = arith.constant 0 : i32
      %dma_wait3A_39 = tpu.memref_slice %arg2[%dma_wait3A_37, %dma_wait3A_38] : memref<10000x128xf32, #tpu.memory_space<hbm>> -> memref<10000x128xf32, #tpu.memory_space<hbm>>
      tpu.wait_indirect_dma semaphore(%arg12 : memref<!tpu.dma_semaphore, #tpu.memory_space<semaphore_mem>>) src(%dma_wait3A_39 : memref<10000x128xf32, #tpu.memory_space<hbm>>) dst(%arg9 : memref<125x128xf32, #tpu.memory_space<vmem>>)
      "tpu.region"() ({
        %run_scoped3A = tpu.sem_alloc : memref<!tpu.dma_semaphore, #tpu.memory_space<semaphore_mem>>
        %dma_start3A_48 = arith.constant 0 : i32
        %dma_start3A_49 = tpu.memref_slice %arg8[%mul3A_21, %dma_start3A_48] : memref<40x125xi32, #tpu.memory_space<vmem>> -> memref<1x125xi32, #tpu.memory_space<vmem>>
        %dma_start3A_50 = tpu.memref_squeeze %dma_start3A_49 : memref<1x125xi32, #tpu.memory_space<vmem>> -> memref<125xi32, #tpu.memory_space<vmem>>
        %dma_start3A_51 = arith.constant 0 : i32
        %dma_start3A_52 = arith.constant 0 : i32
        %dma_start3A_53 = tpu.memref_slice %arg11[%dma_start3A_51, %dma_start3A_52] : memref<10000x128xf32, #tpu.memory_space<vmem_shared>> -> memref<10000x128xf32, #tpu.memory_space<vmem_shared>>
        tpu.enqueue_indirect_dma source(%arg9 : memref<125x128xf32, #tpu.memory_space<vmem>>) target(%dma_start3A_53 : memref<10000x128xf32, #tpu.memory_space<vmem_shared>>) offsets(%dma_start3A_50 : memref<125xi32, #tpu.memory_space<vmem>>) semaphore(%run_scoped3A : memref<!tpu.dma_semaphore, #tpu.memory_space<semaphore_mem>>) {add = true}
        %dma_wait3A_54 = arith.constant 0 : i32
        %dma_wait3A_55 = tpu.memref_slice %arg8[%mul3A_21, %dma_wait3A_54] : memref<40x125xi32, #tpu.memory_space<vmem>> -> memref<1x125xi32, #tpu.memory_space<vmem>>
        %dma_wait3A_56 = tpu.memref_squeeze %dma_wait3A_55 : memref<1x125xi32, #tpu.memory_space<vmem>> -> memref<125xi32, #tpu.memory_space<vmem>>
        %dma_wait3A_57 = arith.constant 0 : i32
        %dma_wait3A_58 = arith.constant 0 : i32
        %dma_wait3A_59 = tpu.memref_slice %arg11[%dma_wait3A_57, %dma_wait3A_58] : memref<10000x128xf32, #tpu.memory_space<vmem_shared>> -> memref<10000x128xf32, #tpu.memory_space<vmem_shared>>
        tpu.wait_indirect_dma semaphore(%run_scoped3A : memref<!tpu.dma_semaphore, #tpu.memory_space<semaphore_mem>>) src(%arg9 : memref<125x128xf32, #tpu.memory_space<vmem>>) dst(%dma_wait3A_59 : memref<10000x128xf32, #tpu.memory_space<vmem_shared>>)
        tpu.yield
      }) : () -> ()
      %dma_wait3A_40 = arith.constant 0 : i32
      %dma_wait3A_41 = tpu.memref_slice %arg7[%add3A_28, %dma_wait3A_40] : memref<40x125xi32, #tpu.memory_space<vmem>> -> memref<1x125xi32, #tpu.memory_space<vmem>>
      %dma_wait3A_42 = tpu.memref_squeeze %dma_wait3A_41 : memref<1x125xi32, #tpu.memory_space<vmem>> -> memref<125xi32, #tpu.memory_space<vmem>>
      %dma_wait3A_43 = arith.constant 0 : i32
      %dma_wait3A_44 = arith.constant 0 : i32
      %dma_wait3A_45 = tpu.memref_slice %arg2[%dma_wait3A_43, %dma_wait3A_44] : memref<10000x128xf32, #tpu.memory_space<hbm>> -> memref<10000x128xf32, #tpu.memory_space<hbm>>
      tpu.wait_indirect_dma semaphore(%arg13 : memref<!tpu.dma_semaphore, #tpu.memory_space<semaphore_mem>>) src(%dma_wait3A_45 : memref<10000x128xf32, #tpu.memory_space<hbm>>) dst(%arg10 : memref<125x128xf32, #tpu.memory_space<vmem>>)
      %add3A_46 = arith.constant 1 : i32
      %add3A_47 = arith.addi %mul3A_21, %add3A_46 : i32
      "tpu.region"() ({
        %run_scoped3A = tpu.sem_alloc : memref<!tpu.dma_semaphore, #tpu.memory_space<semaphore_mem>>
        %dma_start3A_48 = arith.constant 0 : i32
        %dma_start3A_49 = tpu.memref_slice %arg8[%add3A_47, %dma_start3A_48] : memref<40x125xi32, #tpu.memory_space<vmem>> -> memref<1x125xi32, #tpu.memory_space<vmem>>
        %dma_start3A_50 = tpu.memref_squeeze %dma_start3A_49 : memref<1x125xi32, #tpu.memory_space<vmem>> -> memref<125xi32, #tpu.memory_space<vmem>>
        %dma_start3A_51 = arith.constant 0 : i32
        %dma_start3A_52 = arith.constant 0 : i32
        %dma_start3A_53 = tpu.memref_slice %arg11[%dma_start3A_51, %dma_start3A_52] : memref<10000x128xf32, #tpu.memory_space<vmem_shared>> -> memref<10000x128xf32, #tpu.memory_space<vmem_shared>>
        tpu.enqueue_indirect_dma source(%arg10 : memref<125x128xf32, #tpu.memory_space<vmem>>) target(%dma_start3A_53 : memref<10000x128xf32, #tpu.memory_space<vmem_shared>>) offsets(%dma_start3A_50 : memref<125xi32, #tpu.memory_space<vmem>>) semaphore(%run_scoped3A : memref<!tpu.dma_semaphore, #tpu.memory_space<semaphore_mem>>) {add = true}
        %dma_wait3A_54 = arith.constant 0 : i32
        %dma_wait3A_55 = tpu.memref_slice %arg8[%add3A_47, %dma_wait3A_54] : memref<40x125xi32, #tpu.memory_space<vmem>> -> memref<1x125xi32, #tpu.memory_space<vmem>>
        %dma_wait3A_56 = tpu.memref_squeeze %dma_wait3A_55 : memref<1x125xi32, #tpu.memory_space<vmem>> -> memref<125xi32, #tpu.memory_space<vmem>>
        %dma_wait3A_57 = arith.constant 0 : i32
        %dma_wait3A_58 = arith.constant 0 : i32
        %dma_wait3A_59 = tpu.memref_slice %arg11[%dma_wait3A_57, %dma_wait3A_58] : memref<10000x128xf32, #tpu.memory_space<vmem_shared>> -> memref<10000x128xf32, #tpu.memory_space<vmem_shared>>
        tpu.wait_indirect_dma semaphore(%run_scoped3A : memref<!tpu.dma_semaphore, #tpu.memory_space<semaphore_mem>>) src(%arg10 : memref<125x128xf32, #tpu.memory_space<vmem>>) dst(%dma_wait3A_59 : memref<10000x128xf32, #tpu.memory_space<vmem_shared>>)
        tpu.yield
      }) : () -> ()
    }
    %scan3A_11 = arith.constant 20 : i32
    %barrier3A_12 = arith.constant 0 : index
    tpu.barrier barrier_id(%barrier3A_12)
    %mul3A_13 = arith.constant 625 : i32
    %mul3A_14 = arith.muli %arg1, %mul3A_13 : i32
    "tpu.region"() ({
      %run_scoped3A = tpu.sem_alloc : memref<!tpu.dma_semaphore, #tpu.memory_space<semaphore_mem>>
      %dma_start3A = arith.constant 0 : i32
      %dma_start3A_15 = arith.constant 0 : i32
      %dma_start3A_16 = tpu.memref_slice %arg6[%arg0, %arg1, %dma_start3A, %dma_start3A_15] : memref<2x16x625x128xf32, #tpu.memory_space<hbm>> -> memref<1x1x625x128xf32, #tpu.memory_space<hbm>>
      %dma_start3A_17 = tpu.memref_squeeze %dma_start3A_16 : memref<1x1x625x128xf32, #tpu.memory_space<hbm>> -> memref<625x128xf32, #tpu.memory_space<hbm>>
      %dma_start3A_18 = arith.constant 0 : i32
      %dma_start3A_19 = tpu.memref_slice %arg11[%mul3A_14, %dma_start3A_18] : memref<10000x128xf32, #tpu.memory_space<vmem_shared>> -> memref<625x128xf32, #tpu.memory_space<vmem_shared>>
      tpu.enqueue_dma source(%dma_start3A_19 : memref<625x128xf32, #tpu.memory_space<vmem_shared>>) target(%dma_start3A_17 : memref<625x128xf32, #tpu.memory_space<hbm>>) target_semaphore(%run_scoped3A : memref<!tpu.dma_semaphore, #tpu.memory_space<semaphore_mem>>)
      %dma_wait3A = arith.constant 0 : i32
      %dma_wait3A_20 = arith.constant 0 : i32
      %dma_wait3A_21 = tpu.memref_slice %arg6[%arg0, %arg1, %dma_wait3A, %dma_wait3A_20] : memref<2x16x625x128xf32, #tpu.memory_space<hbm>> -> memref<1x1x625x128xf32, #tpu.memory_space<hbm>>
      %dma_wait3A_22 = tpu.memref_squeeze %dma_wait3A_21 : memref<1x1x625x128xf32, #tpu.memory_space<hbm>> -> memref<625x128xf32, #tpu.memory_space<hbm>>
      %dma_wait3A_23 = arith.constant 0 : i32
      %dma_wait3A_24 = tpu.memref_slice %arg11[%mul3A_14, %dma_wait3A_23] : memref<10000x128xf32, #tpu.memory_space<vmem_shared>> -> memref<625x128xf32, #tpu.memory_space<vmem_shared>>
      tpu.wait_dma2 semaphore(%run_scoped3A : memref<!tpu.dma_semaphore, #tpu.memory_space<semaphore_mem>>) src(%dma_wait3A_24 : memref<625x128xf32, #tpu.memory_space<vmem_shared>>) dst(%dma_wait3A_22 : memref<625x128xf32, #tpu.memory_space<hbm>>)
      tpu.yield
    }) : () -> ()
    return
  }
}

module attributes {stable_mosaic.version = 14 : i64} {
  func.func @body(%arg0: i32, %arg1: memref<2x1000x128xf32, #tpu.memory_space<vmem>>, %arg2: memref<1000x128xf32, #tpu.memory_space<vmem>>, %arg3: memref<128x128xf32, #tpu.memory_space<vmem>>, %arg4: memref<1000x128xf32, #tpu.memory_space<vmem>>, %arg5: memref<1000x1xf32, #tpu.memory_space<vmem>>) attributes {dimension_semantics = [#tpu.dimension_semantics<arbitrary>], iteration_bounds = array<i64: 10>, scalar_prefetch = 0 : i64, scratch_operands = 0 : i64, tpu.core_type = #tpu.core_type<tc>, window_params = [{transform_indices = @transform_0, window_bounds = array<i64: 2, 1000, 128>}, {transform_indices = @transform_1, window_bounds = array<i64: 1000, 128>}, {pipeline_mode = #tpu.pipeline_mode<synchronous>, transform_indices = @transform_2, window_bounds = array<i64: 128, 128>}, {transform_indices = @transform_3, window_bounds = array<i64: 1000, 128>}, {transform_indices = @transform_4, window_bounds = array<i64: 1000, 1>}]} {
    %get3A = arith.constant 0 : index
    %get3A_0 = arith.constant 0 : index
    %get3A_1 = arith.constant 0 : index
    %get3A_2 = vector.load %arg1[%get3A, %get3A_0, %get3A_1] : memref<2x1000x128xf32, #tpu.memory_space<vmem>>, vector<1x1000x1xf32>
    %get3A_3 = vector.shape_cast %get3A_2 : vector<1x1000x1xf32> to vector<1000x1xf32>
    %get3A_4 = arith.constant 1 : index
    %get3A_5 = arith.constant 0 : index
    %get3A_6 = arith.constant 0 : index
    %get3A_7 = vector.load %arg1[%get3A_4, %get3A_5, %get3A_6] : memref<2x1000x128xf32, #tpu.memory_space<vmem>>, vector<1x1000x1xf32>
    %get3A_8 = vector.shape_cast %get3A_7 : vector<1x1000x1xf32> to vector<1000x1xf32>
    %add3A = arith.addf %get3A_3, %get3A_8 : vector<1000x1xf32>
    %add3A_9 = arith.constant 1.000000e+00 : f32
    %add3A_10 = vector.broadcast %add3A_9 : f32 to vector<1000x1xf32>
    %add3A_11 = arith.addf %add3A, %add3A_10 : vector<1000x1xf32>
    %rsqrt3A = math.rsqrt %add3A_11 : vector<1000x1xf32>
    %get3A_12 = arith.constant 0 : index
    %get3A_13 = arith.constant 0 : index
    %get3A_14 = vector.load %arg2[%get3A_12, %get3A_13] : memref<1000x128xf32, #tpu.memory_space<vmem>>, vector<1000x128xf32>
    %get3A_15 = arith.constant 0 : index
    %get3A_16 = arith.constant 0 : index
    %get3A_17 = vector.load %arg3[%get3A_15, %get3A_16] : memref<128x128xf32, #tpu.memory_space<vmem>>, vector<128x128xf32>
    %dot_general3A = arith.constant dense<0.000000e+00> : vector<1000x128xf32>
    %dot_general3A_18 = tpu.matmul %get3A_14, %get3A_17, %dot_general3A {dimension_numbers = #tpu.dot_dimension_numbers<[1], [0], [0], [1], [0, 0, 1, 1], [], []>, transpose_lhs_hint = false} : vector<1000x128xf32>, vector<128x128xf32>, vector<1000x128xf32> -> vector<1000x128xf32>
    %mul3A = vector.broadcast %rsqrt3A : vector<1000x1xf32> to vector<1000x128xf32>
    %mul3A_19 = arith.mulf %dot_general3A_18, %mul3A : vector<1000x128xf32>
    %swap3A = arith.constant 0 : index
    %swap3A_20 = arith.constant 0 : index
    %swap3A_21 = vector.load %arg4[%swap3A, %swap3A_20] : memref<1000x128xf32, #tpu.memory_space<vmem>>, vector<1000x128xf32>
    tpu.vector_store %arg4[%swap3A, %swap3A_20], %mul3A_19 {strides = array<i32>} : memref<1000x128xf32, #tpu.memory_space<vmem>>, vector<1000x128xf32>,
    %swap3A_22 = arith.constant 0 : index
    %swap3A_23 = arith.constant 0 : index
    %swap3A_24 = vector.load %arg5[%swap3A_22, %swap3A_23] : memref<1000x1xf32, #tpu.memory_space<vmem>>, vector<1000x1xf32>
    tpu.vector_store %arg5[%swap3A_22, %swap3A_23], %rsqrt3A {strides = array<i32>} : memref<1000x1xf32, #tpu.memory_space<vmem>>, vector<1000x1xf32>,
    return
  }
  func.func @transform_0(%arg0: i32) -> (i32, i32, i32) {
    %c0_i32 = arith.constant 0 : i32
    %c0_i32_0 = arith.constant 0 : i32
    %c0_i32_1 = arith.constant 0 : i32
    return %c0_i32, %arg0, %c0_i32_0 : i32, i32, i32
  }
  func.func @transform_1(%arg0: i32) -> (i32, i32) {
    %c0_i32 = arith.constant 0 : i32
    %c0_i32_0 = arith.constant 0 : i32
    return %arg0, %c0_i32 : i32, i32
  }
  func.func @transform_2(%arg0: i32) -> (i32, i32) {
    %c0_i32 = arith.constant 0 : i32
    %c0_i32_0 = arith.constant 0 : i32
    %c0_i32_1 = arith.constant 0 : i32
    return %c0_i32, %c0_i32_0 : i32, i32
  }
  func.func @transform_3(%arg0: i32) -> (i32, i32) {
    %c0_i32 = arith.constant 0 : i32
    %c0_i32_0 = arith.constant 0 : i32
    return %arg0, %c0_i32 : i32, i32
  }
  func.func @transform_4(%arg0: i32) -> (i32, i32) {
    %c0_i32 = arith.constant 0 : i32
    %c0_i32_0 = arith.constant 0 : i32
    return %arg0, %c0_i32 : i32, i32
  }
}

module attributes {stable_mosaic.version = 14 : i64} {
  func.func @body(%arg0: i32, %arg1: memref<2x1000x128xf32, #tpu.memory_space<vmem>>, %arg2: memref<1000x128xf32, #tpu.memory_space<vmem>>, %arg3: memref<1000x1xf32, #tpu.memory_space<vmem>>, %arg4: memref<1x128xf32, #tpu.memory_space<vmem>>, %arg5: memref<1000x128xf32, #tpu.memory_space<vmem>>, %arg6: memref<128x128xf32, #tpu.memory_space<vmem>>, %arg7: memref<1000x128xf32, #tpu.memory_space<vmem>>, %arg8: memref<1000x128xf32, #tpu.memory_space<vmem>>) attributes {dimension_semantics = [#tpu.dimension_semantics<arbitrary>], iteration_bounds = array<i64: 10>, scalar_prefetch = 0 : i64, scratch_operands = 0 : i64, tpu.core_type = #tpu.core_type<tc>, window_params = [{transform_indices = @transform_0, window_bounds = array<i64: 2, 1000, 128>}, {transform_indices = @transform_1, window_bounds = array<i64: 1000, 128>}, {transform_indices = @transform_2, window_bounds = array<i64: 1000, 1>}, {pipeline_mode = #tpu.pipeline_mode<synchronous>, transform_indices = @transform_3, window_bounds = array<i64: 1, 128>}, {transform_indices = @transform_4, window_bounds = array<i64: 1000, 128>}, {pipeline_mode = #tpu.pipeline_mode<synchronous>, transform_indices = @transform_5, window_bounds = array<i64: 128, 128>}, {transform_indices = @transform_6, window_bounds = array<i64: 1000, 128>}, {transform_indices = @transform_7, window_bounds = array<i64: 1000, 128>}]} {
    %get3A = arith.constant 0 : index
    %get3A_0 = arith.constant 0 : index
    %get3A_1 = arith.constant 0 : index
    %get3A_2 = vector.load %arg1[%get3A, %get3A_0, %get3A_1] : memref<2x1000x128xf32, #tpu.memory_space<vmem>>, vector<1x1000x128xf32>
    %get3A_3 = vector.shape_cast %get3A_2 : vector<1x1000x128xf32> to vector<1000x128xf32>
    %get3A_4 = arith.constant 1 : index
    %get3A_5 = arith.constant 0 : index
    %get3A_6 = arith.constant 0 : index
    %get3A_7 = vector.load %arg1[%get3A_4, %get3A_5, %get3A_6] : memref<2x1000x128xf32, #tpu.memory_space<vmem>>, vector<1x1000x128xf32>
    %get3A_8 = vector.shape_cast %get3A_7 : vector<1x1000x128xf32> to vector<1000x128xf32>
    %add3A = arith.addf %get3A_3, %get3A_8 : vector<1000x128xf32>
    %get3A_9 = arith.constant 0 : index
    %get3A_10 = arith.constant 0 : index
    %get3A_11 = vector.load %arg2[%get3A_9, %get3A_10] : memref<1000x128xf32, #tpu.memory_space<vmem>>, vector<1000x128xf32>
    %add3A_12 = arith.addf %add3A, %get3A_11 : vector<1000x128xf32>
    %get3A_13 = arith.constant 0 : index
    %get3A_14 = arith.constant 0 : index
    %get3A_15 = vector.load %arg3[%get3A_13, %get3A_14] : memref<1000x1xf32, #tpu.memory_space<vmem>>, vector<1000x1xf32>
    %mul3A = vector.broadcast %get3A_15 : vector<1000x1xf32> to vector<1000x128xf32>
    %mul3A_16 = arith.mulf %add3A_12, %mul3A : vector<1000x128xf32>
    %get3A_17 = arith.constant 0 : index
    %get3A_18 = arith.constant 0 : index
    %get3A_19 = vector.load %arg4[%get3A_17, %get3A_18] : memref<1x128xf32, #tpu.memory_space<vmem>>, vector<1x128xf32>
    %add3A_20 = vector.broadcast %get3A_19 : vector<1x128xf32> to vector<1000x128xf32>
    %add3A_21 = arith.addf %mul3A_16, %add3A_20 : vector<1000x128xf32>
    %max3A = arith.constant 0.000000e+00 : f32
    %max3A_22 = vector.broadcast %max3A : f32 to vector<1000x128xf32>
    %max3A_23 = arith.maximumf %add3A_21, %max3A_22 : vector<1000x128xf32>
    %get3A_24 = arith.constant 0 : index
    %get3A_25 = arith.constant 0 : index
    %get3A_26 = vector.load %arg5[%get3A_24, %get3A_25] : memref<1000x128xf32, #tpu.memory_space<vmem>>, vector<1000x128xf32>
    %add3A_27 = arith.addf %max3A_23, %get3A_26 : vector<1000x128xf32>
    %swap3A = arith.constant 0 : index
    %swap3A_28 = arith.constant 0 : index
    %swap3A_29 = vector.load %arg7[%swap3A, %swap3A_28] : memref<1000x128xf32, #tpu.memory_space<vmem>>, vector<1000x128xf32>
    tpu.vector_store %arg7[%swap3A, %swap3A_28], %add3A_27 {strides = array<i32>} : memref<1000x128xf32, #tpu.memory_space<vmem>>, vector<1000x128xf32>,
    %get3A_30 = arith.constant 0 : index
    %get3A_31 = arith.constant 0 : index
    %get3A_32 = vector.load %arg6[%get3A_30, %get3A_31] : memref<128x128xf32, #tpu.memory_space<vmem>>, vector<128x128xf32>
    %dot_general3A = arith.constant dense<0.000000e+00> : vector<1000x128xf32>
    %dot_general3A_33 = tpu.matmul %add3A_27, %get3A_32, %dot_general3A {dimension_numbers = #tpu.dot_dimension_numbers<[1], [0], [0], [1], [0, 0, 1, 1], [], []>, transpose_lhs_hint = false} : vector<1000x128xf32>, vector<128x128xf32>, vector<1000x128xf32> -> vector<1000x128xf32>
    %get3A_34 = arith.constant 0 : index
    %get3A_35 = arith.constant 0 : index
    %get3A_36 = vector.load %arg3[%get3A_34, %get3A_35] : memref<1000x1xf32, #tpu.memory_space<vmem>>, vector<1000x1xf32>
    %mul3A_37 = vector.broadcast %get3A_36 : vector<1000x1xf32> to vector<1000x128xf32>
    %mul3A_38 = arith.mulf %dot_general3A_33, %mul3A_37 : vector<1000x128xf32>
    %swap3A_39 = arith.constant 0 : index
    %swap3A_40 = arith.constant 0 : index
    %swap3A_41 = vector.load %arg8[%swap3A_39, %swap3A_40] : memref<1000x128xf32, #tpu.memory_space<vmem>>, vector<1000x128xf32>
    tpu.vector_store %arg8[%swap3A_39, %swap3A_40], %mul3A_38 {strides = array<i32>} : memref<1000x128xf32, #tpu.memory_space<vmem>>, vector<1000x128xf32>,
    return
  }
  func.func @transform_0(%arg0: i32) -> (i32, i32, i32) {
    %c0_i32 = arith.constant 0 : i32
    %c0_i32_0 = arith.constant 0 : i32
    %c0_i32_1 = arith.constant 0 : i32
    return %c0_i32, %arg0, %c0_i32_0 : i32, i32, i32
  }
  func.func @transform_1(%arg0: i32) -> (i32, i32) {
    %c0_i32 = arith.constant 0 : i32
    %c0_i32_0 = arith.constant 0 : i32
    return %arg0, %c0_i32 : i32, i32
  }
  func.func @transform_2(%arg0: i32) -> (i32, i32) {
    %c0_i32 = arith.constant 0 : i32
    %c0_i32_0 = arith.constant 0 : i32
    return %arg0, %c0_i32 : i32, i32
  }
  func.func @transform_3(%arg0: i32) -> (i32, i32) {
    %c0_i32 = arith.constant 0 : i32
    %c0_i32_0 = arith.constant 0 : i32
    %c0_i32_1 = arith.constant 0 : i32
    return %c0_i32, %c0_i32_0 : i32, i32
  }
  func.func @transform_4(%arg0: i32) -> (i32, i32) {
    %c0_i32 = arith.constant 0 : i32
    %c0_i32_0 = arith.constant 0 : i32
    return %arg0, %c0_i32 : i32, i32
  }
  func.func @transform_5(%arg0: i32) -> (i32, i32) {
    %c0_i32 = arith.constant 0 : i32
    %c0_i32_0 = arith.constant 0 : i32
    %c0_i32_1 = arith.constant 0 : i32
    return %c0_i32, %c0_i32_0 : i32, i32
  }
  func.func @transform_6(%arg0: i32) -> (i32, i32) {
    %c0_i32 = arith.constant 0 : i32
    %c0_i32_0 = arith.constant 0 : i32
    return %arg0, %c0_i32 : i32, i32
  }
  func.func @transform_7(%arg0: i32) -> (i32, i32) {
    %c0_i32 = arith.constant 0 : i32
    %c0_i32_0 = arith.constant 0 : i32
    return %arg0, %c0_i32 : i32, i32
  }
}

module attributes {stable_mosaic.version = 14 : i64} {
  func.func @body(%arg0: i32, %arg1: memref<2x1000x128xf32, #tpu.memory_space<vmem>>, %arg2: memref<1000x128xf32, #tpu.memory_space<vmem>>, %arg3: memref<1000x1xf32, #tpu.memory_space<vmem>>, %arg4: memref<1x128xf32, #tpu.memory_space<vmem>>, %arg5: memref<1000x128xf32, #tpu.memory_space<vmem>>, %arg6: memref<1000x128xf32, #tpu.memory_space<vmem>>) attributes {dimension_semantics = [#tpu.dimension_semantics<arbitrary>], iteration_bounds = array<i64: 10>, scalar_prefetch = 0 : i64, scratch_operands = 0 : i64, tpu.core_type = #tpu.core_type<tc>, window_params = [{transform_indices = @transform_0, window_bounds = array<i64: 2, 1000, 128>}, {transform_indices = @transform_1, window_bounds = array<i64: 1000, 128>}, {transform_indices = @transform_2, window_bounds = array<i64: 1000, 1>}, {pipeline_mode = #tpu.pipeline_mode<synchronous>, transform_indices = @transform_3, window_bounds = array<i64: 1, 128>}, {transform_indices = @transform_4, window_bounds = array<i64: 1000, 128>}, {transform_indices = @transform_5, window_bounds = array<i64: 1000, 128>}]} {
    %get3A = arith.constant 0 : index
    %get3A_0 = arith.constant 0 : index
    %get3A_1 = arith.constant 0 : index
    %get3A_2 = vector.load %arg1[%get3A, %get3A_0, %get3A_1] : memref<2x1000x128xf32, #tpu.memory_space<vmem>>, vector<1x1000x128xf32>
    %get3A_3 = vector.shape_cast %get3A_2 : vector<1x1000x128xf32> to vector<1000x128xf32>
    %get3A_4 = arith.constant 1 : index
    %get3A_5 = arith.constant 0 : index
    %get3A_6 = arith.constant 0 : index
    %get3A_7 = vector.load %arg1[%get3A_4, %get3A_5, %get3A_6] : memref<2x1000x128xf32, #tpu.memory_space<vmem>>, vector<1x1000x128xf32>
    %get3A_8 = vector.shape_cast %get3A_7 : vector<1x1000x128xf32> to vector<1000x128xf32>
    %add3A = arith.addf %get3A_3, %get3A_8 : vector<1000x128xf32>
    %get3A_9 = arith.constant 0 : index
    %get3A_10 = arith.constant 0 : index
    %get3A_11 = vector.load %arg2[%get3A_9, %get3A_10] : memref<1000x128xf32, #tpu.memory_space<vmem>>, vector<1000x128xf32>
    %add3A_12 = arith.addf %add3A, %get3A_11 : vector<1000x128xf32>
    %get3A_13 = arith.constant 0 : index
    %get3A_14 = arith.constant 0 : index
    %get3A_15 = vector.load %arg3[%get3A_13, %get3A_14] : memref<1000x1xf32, #tpu.memory_space<vmem>>, vector<1000x1xf32>
    %mul3A = vector.broadcast %get3A_15 : vector<1000x1xf32> to vector<1000x128xf32>
    %mul3A_16 = arith.mulf %add3A_12, %mul3A : vector<1000x128xf32>
    %get3A_17 = arith.constant 0 : index
    %get3A_18 = arith.constant 0 : index
    %get3A_19 = vector.load %arg4[%get3A_17, %get3A_18] : memref<1x128xf32, #tpu.memory_space<vmem>>, vector<1x128xf32>
    %add3A_20 = vector.broadcast %get3A_19 : vector<1x128xf32> to vector<1000x128xf32>
    %add3A_21 = arith.addf %mul3A_16, %add3A_20 : vector<1000x128xf32>
    %max3A = arith.constant 0.000000e+00 : f32
    %max3A_22 = vector.broadcast %max3A : f32 to vector<1000x128xf32>
    %max3A_23 = arith.maximumf %add3A_21, %max3A_22 : vector<1000x128xf32>
    %get3A_24 = arith.constant 0 : index
    %get3A_25 = arith.constant 0 : index
    %get3A_26 = vector.load %arg5[%get3A_24, %get3A_25] : memref<1000x128xf32, #tpu.memory_space<vmem>>, vector<1000x128xf32>
    %add3A_27 = arith.addf %max3A_23, %get3A_26 : vector<1000x128xf32>
    %swap3A = arith.constant 0 : index
    %swap3A_28 = arith.constant 0 : index
    %swap3A_29 = vector.load %arg6[%swap3A, %swap3A_28] : memref<1000x128xf32, #tpu.memory_space<vmem>>, vector<1000x128xf32>
    tpu.vector_store %arg6[%swap3A, %swap3A_28], %add3A_27 {strides = array<i32>} : memref<1000x128xf32, #tpu.memory_space<vmem>>, vector<1000x128xf32>,
    return
  }
  func.func @transform_0(%arg0: i32) -> (i32, i32, i32) {
    %c0_i32 = arith.constant 0 : i32
    %c0_i32_0 = arith.constant 0 : i32
    %c0_i32_1 = arith.constant 0 : i32
    return %c0_i32, %arg0, %c0_i32_0 : i32, i32, i32
  }
  func.func @transform_1(%arg0: i32) -> (i32, i32) {
    %c0_i32 = arith.constant 0 : i32
    %c0_i32_0 = arith.constant 0 : i32
    return %arg0, %c0_i32 : i32, i32
  }
  func.func @transform_2(%arg0: i32) -> (i32, i32) {
    %c0_i32 = arith.constant 0 : i32
    %c0_i32_0 = arith.constant 0 : i32
    return %arg0, %c0_i32 : i32, i32
  }
  func.func @transform_3(%arg0: i32) -> (i32, i32) {
    %c0_i32 = arith.constant 0 : i32
    %c0_i32_0 = arith.constant 0 : i32
    %c0_i32_1 = arith.constant 0 : i32
    return %c0_i32, %c0_i32_0 : i32, i32
  }
  func.func @transform_4(%arg0: i32) -> (i32, i32) {
    %c0_i32 = arith.constant 0 : i32
    %c0_i32_0 = arith.constant 0 : i32
    return %arg0, %c0_i32 : i32, i32
  }
  func.func @transform_5(%arg0: i32) -> (i32, i32) {
    %c0_i32 = arith.constant 0 : i32
    %c0_i32_0 = arith.constant 0 : i32
    return %arg0, %c0_i32 : i32, i32
  }
}

</mosaic_0001>

<sc_bundles>
// kernel: kernel.11.cloned.1.call-start
scs
__scs_entry_jumppad:
0x0: {  	(pc) =	sbr.rel $0x88, $3  }
0x1: {  	(tag) =	ssettag $0x0;
	lr =	simm.s32 $0x1  }
0x2: {  	[smem:$0x3F9B] =	sst lr;
	_ =	strace $0xD0000000  }
0x3: {  	_ = 	snop  }
0x4: {  	_ = 	snop  }
0x5: {  	_ = 	snop  }
0x6: {  	_ = 	snop  }
0x7: {  	_ = 	snop  }
__scs_overlays_trampoline_lowered:
0x8: {  	[smem:$0x3FAA] =	sst s0  }
0x9: {  	[smem:$0x3FAB] =	sst s1  }
0xa: {  	[smem:$0x3FAC] =	sst s2  }
0xb: {  	[smem:$0x3FAD] =	sst s3  }
0xc: {  	[smem:$0x3FAE] =	sst s4  }
0xd: {  	[smem:$0x3FAF] =	sst s5  }
0xe: {  	[smem:$0x3FB0] =	sst s6  }
0xf: {  	[smem:$0x3FB1] =	sst s7  }
0x10: {  	[smem:$0x3FB2] =	sst s8  }
0x11: {  	[smem:$0x3FB3] =	sst s9;
	s0 =	simm.s32 @!p0 $0x0  }
0x12: {  	s1 =	sld [smem:$0x3F99];
	s0 =	simm.s32 @p0 $0x1  }
0x13: {  	[smem:$0x3FB4] =	sst s0;
	s0 =	simm.s32 @!p1 $0x0  }
0x14: {  	s2 =	sld [smem:$0x3F98];
	s0 =	simm.s32 @p1 $0x1  }
0x15: {  	[smem:$0x3FB5] =	sst s0;
	s0 =	simm.s32 @!p2 $0x0  }
0x16: {  	s3 =	sld [smem:$0x3FDB];
	s0 =	simm.s32 @p2 $0x1  }
0x17: {  	s4 =	simm.s32 $0x1BF5;
	[smem:$0x3FB7] =	sst s0  }
0x18: {  	s0 =	sld [smem:$0x3F9A];
	_ =	swait.ge [sflag:s4], $0x0  }
0x19: {  	s7 =	sld [smem:$0x3F9B]  }
0x1a: {  	s8 =	sadd.s32 $0xFFFFE003, lr  }
0x1b: {  	s9 =	sadd.s32 $0xFFFFFEF7, lr;
	s5 =	simm.s32 $0xFFFFFFFF;
	p2 =	slt.u32 s8, $0xFFFFF086  }
0x1c: {  	p1 =	slt.u32 s9, $0xF7A;
	s5 =	simm.s32 @!p2 $0x0  }
0x1d: {  	s5 =	simm.s32 @p1 $0x1;
	p0 =	seq.s32 s7, s2  }
0x1e: {  	s7 =	smul.u32 @!p0 $0xF7A, s2;
	p2 =	seq.s32 @!p0 s5, $0x0  }
0x1f: {  	s9 =	smul.u32 $0xF7A, s1;
	s8 =	simm.s32 @!p0 $0x1BF5;
	p2 =	por !p2, p0  }
0x20: {  	[sflag:s8] =	ssyncset.s32 @!p0 $0xFFFFF086;
	s6 =	sadd.s32 @!p0 s3, s7;
	s7 =	simm.s32 @!p0 $0x108  }
0x21: {  	s3 =	sadd.s32 s3, s9;
	s6 =	sadd.s32 @!p0 $0x88, s6;
	s7 =	simm.s32 @p2 $0x1082  }
0x22: {  	[simem:s7], [sflag:s8] =	dma.local @!p0 [hbm:s6], $0xF7A  }
0x23: {  	s9 =	sor.u32 $0xD0000000, s2;
	s6 =	simm.s32 $0x108;
	_ =	swait.ge @!p0 [sflag:s8], $0x0  }
0x24: {  	s3 =	sadd.s32 $0x88, s3;
	s6 =	simm.s32 @!p1 $0x1082;
	[sflag:s4] =	ssyncset.s32 $0xFFFFF086  }
0x25: {  	[simem:s6], [sflag:s4] =	dma.local [hbm:s3], $0xF7A  }
0x26: {  	[smem:$0x3F9B] =	sst s1;
	(tag) =	ssettag s2;
	_ =	strace s9  }
0x27: {  	s1 =	sld [smem:$0x3FAB]  }
0x28: {  	s2 =	sld [smem:$0x3FAC]  }
0x29: {  	s4 =	sld [smem:$0x3FAE]  }
0x2a: {  	p0 =	seq.s32 s5, $0x0;
	s5 =	sld [smem:$0x3FAF]  }
0x2b: {  	s6 =	sld [smem:$0x3FB0]  }
0x2c: {  	s7 =	sld [smem:$0x3FB1]  }
0x2d: {  	s3 =	simm.s32 $0x108;
	s8 =	sld [smem:$0x3FB2]  }
0x2e: {  	s3 =	simm.s32 @!p0 $0x1082;
	s9 =	sld [smem:$0x3FB3]  }
0x2f: {  	lr =	sadd.s32 s0, s3;
	s0 =	sld [smem:$0x3FAA]  }
0x30: {  	s3 =	sld [smem:$0x3FAD]  }
0x31: {  	[smem:$0x3FB6] =	sst s10  }
0x32: {  	s10 =	sld [smem:$0x3FB4];
	_ =	sdelay $0x3  }
0x33: {  	p0 =	seq.s32 s10, $0x1;
	s10 =	sld [smem:$0x3FB6];
	_ =	sdelay $0x3  }
0x34: {  	[smem:$0x3FB6] =	sst s10  }
0x35: {  	s10 =	sld [smem:$0x3FB5];
	_ =	sdelay $0x3  }
0x36: {  	p1 =	seq.s32 s10, $0x1;
	s10 =	sld [smem:$0x3FB6];
	_ =	sdelay $0x3  }
0x37: {  	[smem:$0x3FB6] =	sst s10  }
0x38: {  	s10 =	sld [smem:$0x3FB7]  }
0x39: {  	_ = 	snop;
	(pc) =	sbr.ind lr, $3  }
0x3a: {  	_ = 	snop  }
0x3b: {  	_ = 	snop  }
0x3c: {  	p2 =	seq.s32 s10, $0x1;
	s10 =	sld [smem:$0x3FB6]  }
0x3d: {  	_ =	shalt  }
0x3e: {  	_ =	shalt  }
0x3f: {  	_ =	shalt  }
0x40: {  	_ =	shalt  }
0x41: {  	_ =	shalt  }
0x42: {  	_ =	shalt  }
0x43: {  	_ =	shalt  }
0x44: {  	_ =	shalt  }
0x45: {  	_ =	shalt  }
0x46: {  	_ =	shalt  }
0x47: {  	_ =	shalt  }
0x48: {  	_ =	shalt  }
0x49: {  	_ =	shalt  }
0x4a: {  	_ =	shalt  }
0x4b: {  	_ =	shalt  }
0x4c: {  	_ =	shalt  }
0x4d: {  	_ =	shalt  }
0x4e: {  	_ =	shalt  }
0x4f: {  	_ =	shalt  }
0x50: {  	_ =	shalt  }
0x51: {  	_ =	shalt  }
0x52: {  	_ =	shalt  }
0x53: {  	_ =	shalt  }
0x54: {  	_ =	shalt  }
0x55: {  	_ =	shalt  }
0x56: {  	_ =	shalt  }
0x57: {  	_ =	shalt  }
0x58: {  	_ =	shalt  }
0x59: {  	_ =	shalt  }
0x5a: {  	_ =	shalt  }
0x5b: {  	_ =	shalt  }
0x5c: {  	_ =	shalt  }
0x5d: {  	_ =	shalt  }
0x5e: {  	_ =	shalt  }
0x5f: {  	_ =	shalt  }
0x60: {  	_ =	shalt  }
0x61: {  	_ =	shalt  }
0x62: {  	_ =	shalt  }
0x63: {  	_ =	shalt  }
0x64: {  	_ =	shalt  }
0x65: {  	_ =	shalt  }
0x66: {  	_ =	shalt  }
0x67: {  	_ =	shalt  }
0x68: {  	_ =	shalt  }
0x69: {  	_ =	shalt  }
0x6a: {  	_ =	shalt  }
0x6b: {  	_ =	shalt  }
0x6c: {  	_ =	shalt  }
0x6d: {  	_ =	shalt  }
0x6e: {  	_ =	shalt  }
0x6f: {  	_ =	shalt  }
0x70: {  	_ =	shalt  }
0x71: {  	_ =	shalt  }
0x72: {  	_ =	shalt  }
0x73: {  	_ =	shalt  }
0x74: {  	_ =	shalt  }
0x75: {  	_ =	shalt  }
0x76: {  	_ =	shalt  }
0x77: {  	_ =	shalt  }
0x78: {  	_ =	shalt  }
0x79: {  	_ =	shalt  }
0x7a: {  	_ =	shalt  }
0x7b: {  	_ =	shalt  }
0x7c: {  	_ =	shalt  }
0x7d: {  	_ =	shalt  }
0x7e: {  	_ =	shalt  }
0x7f: {  	_ =	shalt  }
0x80: {  	_ =	shalt  }
0x81: {  	_ =	shalt  }
0x82: {  	_ =	shalt  }
0x83: {  	_ =	shalt  }
0x84: {  	_ =	shalt  }
0x85: {  	_ =	shalt  }
0x86: {  	_ =	shalt  }
0x87: {  	_ =	shalt  }
.Lfunc_end0:
.L_simem_size_0:
called_computation.1_lowered:
.L_overlay_start_0:
0x88: {  	s2 =	sld [smem:$0x3FD9]  }
0x89: {  	s3 =	sld [smem:$0x3FFE];
	_ =	sdelay $0x1  }
0x8a: {  	s1 =	srdreg.scid  }
0x8b: {  	s0 =	sand.u32 $0x1, s1  }
0x8c: {  	s17 =	sshll.u32 s0, $0xA;
	s2 =	sadd.s32 s3, s2  }
0x8d: {  	s2 =	sadd.s32 s2, s17  }
0x8e: {  	[smem:$0x3FC2] =	sst s2  }
0x8f: {  	_ = 	snop  }
0x90: {  	s2 =	sld [smem:$0x3FD0];
	(tm) =	ssettm $0x1  }
0x91: {  	s18 =	sld [smem:$0x3FFB];
	_ =	sdelay $0x3  }
0x92: {  	_ =	strace s18  }
0x93: {  	s3 =	sld [smem:$0x3FFC];
	_ =	sdelay $0x3  }
0x94: {  	_ =	strace s3  }
0x95: {  	s3 =	sld [smem:$0x3FFD];
	_ =	sdelay $0x3  }
0x96: {  	_ =	strace s3  }
0x97: {  	_ =	strace $0x8FFFFFFF  }
0x98: {  	s19 =	sld [smem:$0x3FDB];
	_ =	sdelay $0x1  }
0x99: {  	s4 =	simm.s32 $_scs_section_size  }
0x9a: {  	s5 =	simm.s32 $_size__tile_overlayer_lowered;
	s6 =	simm.s32 $_tile_overlayer_lowered  }
0x9b: {  	s22 =	simm.s32 $0x1BFF;
	s21 =	sshll.u32 s6, $0x1;
	s3 =	sadd.s32 s4, s19  }
0x9c: {  	s7 =	simm.s32 $0x0;
	s20 =	sshll.u32 s5, $0x1;
	s5 =	sadd.s32 s21, s3  }
0x9d: {  	[timem:s7], [sflag:s22] =	dma.local [hbm:s5], s20  }
0x9e: {  	_ =	swait.ge [sflag:s22], s20  }
0x9f: {  	s4 =	ssub.s32 $0x0, s20;
	[sflag:s22] =	ssyncset.done $0x0  }
0xa0: {  	[sflag:s22] =	ssyncadd.s32 s4;
	_ =	sdelay $0x1  }
0xa1: {  	s23 =	simm.s32 $0x1B8B  }
0xa2: {  	_ =	swait.ge [sflag:s23], $0x1  }
0xa3: {  	[sflag:s23] =	ssyncset.done $0x0  }
0xa4: {  	s25 =	simm.s32 $0x1B8E;
	s24 =	sld [smem:$0x3FFE];
	[sflag:s23] =	ssyncadd.s32 $0xFFFFFFFF  }
0xa5: {  	s26 =	simm.s32 $execute0_lowered;
	[smem:$0x3FD2] =	sst s25  }
0xa6: {  	s5 =	sshll.u32 s26, $0x1;
	_ =	strace $0x80000049;
	[dreg:$0x1] =	wrdreg $0xFFFFFFFF  }
0xa7: {  	s28 =	simm.s32 $_size_execute0_lowered;
	s3 =	sadd.s32 s3, s5;
	[dreg:$0x0] =	wrdreg $0x0  }
0xa8: {  	s5 =	sshll.u32 s28, $0x1;
	[dreg:$0x2] =	wrdreg s3  }
0xa9: {  	[dreg:$0x3] =	wrdreg s5  }
0xaa: {  	[dreg:$0x4] =	wrdreg $0xC0  }
0xab: {  	_ =	task [dreg:s7], $0x5FFFF  }
0xac: {  	[dreg:$0x1] =	wrdreg $0xFFFFFFFF  }
0xad: {  	[dreg:$0x0] =	wrdreg $0x60  }
0xae: {  	[dreg:$0x2] =	wrdreg s2  }
0xaf: {  	[dreg:$0x3] =	wrdreg s24  }
0xb0: {  	[dreg:$0x4] =	wrdreg $0xA8000  }
0xb1: {  	[dreg:$0x5] =	wrdreg $0x9  }
0xb2: {  	_ =	task.clear_ibuf [dreg:s7], $0x6FFFF;
	_ =	strace $0x90000049  }
0xb3: {  	s29 =	simm.s32 $0x9;
	_ =	strace $0x8000004B  }
0xb4: {  	_ =	swait.ge [sflag:s29], $0x1  }
0xb5: {  	[sflag:s29] =	ssyncadd.s32 $0xFFFFFFFF  }
0xb6: {  	_ =	strace $0x9000004B  }
0xb7: {  	_ =	sfence  }
0xb8: {  	s30 =	sld [smem:$0x0];
	_ =	sdelay $0x2  }
0xb9: {  	s31 =	sshll.u32 s1, $0xD;
	s1 =	sshrl.u32 s1, $0x2  }
0xba: {  	s3 =	sand.u32 $0x4000, s31;
	s1 =	sadd.s32 s1, s30  }
0xbb: {  	s0 =	sor.u32 s3, s0;
	s1 =	sshll.u32 s1, $0x11  }
0xbc: {  	s0 =	sor.u32 s1, s0  }
0xbd: {  	s0 =	sadd.s32 $0x8F2B, s0  }
0xbe: {  	[sflag:s0] =	ssyncadd.remote.s32 $0x1  }
0xbf: {  	_ =	sfence.sel $0xFFFF  }
0xc0: {  	[dreg:$0x0] =	wrdreg $0xFFFFFFFF;
	(pc) =	sbr.abs _section_cstart, $3  }
0xc1: {  	[dreg:$0x1] =	wrdreg $0xFFFFFFFF  }
0xc2: {  	_ =	task.clear_ibuf [dreg:s7], $0x2FFFF;
	_ =	strace $0x9FFFFFFF  }
0xc3: {  	(tm) =	ssettm $0x7FFFFFFF  }
tec
execute0_lowered:
.L_overlay_start_1:
0x0: {  	(tag) =	ssettag $0x1  }
0x1: {  	s1 =	rddreg [dreg:$0x0]  }
0x2: {  	s6 =	rddreg [dreg:$0x1]  }
0x3: {  	s2 =	rddreg [dreg:$0x2];
	s3 =	srdreg.scid  }
0x4: {  	s0 =	rddreg [dreg:$0x3];
	s4 =	simm.s32 $0x0;
	s15 =	simm.s32 $0x1400  }
0x5: {  	s16 =	simm.s32 $0x7D;
	s17 =	simm.s32 $0x2800;
	s18 =	simm.s32 $0x6800  }
0x6: {  	s19 =	simm.s32 $0x1;
	s20 =	simm.s32 $0x2;
	s21 =	simm.s32 $0x0  }
0x7: {  	s5 =	sand.u32 $0x1, s3;
	s3 =	stileid.u32;
	[smem:$0x7FF] =	sst s4  }
0x8: {  	s9 =	sadd.s32 $0x5DE00, s6;
	s10 =	sadd.s32 $0x2600, s6;
	s7 =	smul.u32 $0x13C000, s5  }
0x9: {  	s8 =	smul.u32 $0x13C00, s3;
	_ =	strace $0x8000004A;
	s23 =	sshll.u32 s5, $0x4  }
0xa: {  	s11 =	ssub.s32 $0x2, s5;
	s25 =	smul.u32 $0x4E200, s3;
	s5 =	sadd.s32 $0xC600, s6  }
0xb: {  	s28 =	sshll.u32 s3, $0x6;
	s24 =	sor.u32 s3, s23;
	s12 =	sshrl.u32 s11, $0x1  }
0xc: {  	s7 =	sadd.s32 s8, s7;
	s13 =	smul.u32 $0x2800, s24;
	s26 =	sshrl.u32 s25, $0x2  }
0xd: {  	s12 =	ssub.s32 s11, s12;
	s7 =	sshrl.u32 s7, $0x3;
	s30 =	sadd.s32 s26, s2  }
0xe: {  	s12 =	smax.u32 s12, $0x1;
	s14 =	sadd.s32 s7, s6;
	s29 =	sshrl.u32 s13, $0x3  }
0xf: {  	s6 =	sor.u32 $0x1C03, s28;
	s13 =	sshrl.u32 s30, $0x3;
	s31 =	sadd.s32 $0x280, s29  }
0x10: {  	s7 =	sadd.s32 s9, s29;
	s8 =	sadd.s32 s10, s29;
	s11 =	sadd.s32 $0xEE00, s14  }
0x11: {  	s14 =	simm.s32 $0x3;
	s9 =	sadd.s32 s9, s31;
	s10 =	sadd.s32 s10, s31  }
.LBB2_1:
0x12: {  	[spmem:s13], [sflag:s6] =	dma.local [hbm:s5], $0x2710  }
0x13: {  	_ =	swait.ge [sflag:s14], $0x2710  }
0x14: {  	[sflag:s14] =	ssyncset.done $0x0  }
0x15: {  	[sflag:s14] =	ssyncadd.s32 $0xFFFFD8F0  }
0x16: {  	[bflag:$0x0] =	sbarrier.arrive $0xFFFF  }
0x17: {  	[tilespmem:s4], [sflag:$0x3] =	stream.linear.gather [hbm4b:s7+s4], $0x1400, $0x38;
	[tilespmem:$0x1E080] =	vst v63  }
0x18: {  	_ =	swait.ge [sflag:s14], $0x1400  }
0x19: {  	[sflag:s14] =	ssyncset.done $0x0  }
0x1a: {  	[sflag:s14] =	ssyncadd.s32 $0xFFFFEC00  }
0x1b: {  	[tilespmem:s15], [sflag:$0x3] =	stream.linear.gather [hbm4b:s8+s4], $0x1400, $0x38;
	[tilespmem:$0x1E080] =	vst v63  }
0x1c: {  	_ =	swait.ge [sflag:s14], $0x1400  }
0x1d: {  	[sflag:s14] =	ssyncset.done $0x0  }
0x1e: {  	s22 =	simm.s32 $0x0;
	[sflag:s14] =	ssyncadd.s32 $0xFFFFEC00  }
0x1f: {  	[tilespmem:s17], [sflag:$0x1] =	stream.indirect.gather [hbm4b:s1+s16], $0x80, s22, s16, $0xb8;
	[tilespmem:$0x1E080] =	vst v63  }
0x20: {  	s29 =	simm.s32 $0x80  }
0x21: {  	[tilespmem:s18], [sflag:$0x2] =	stream.indirect.gather [hbm4b:s1+s16], $0x80, s29, s16, $0xb8;
	[tilespmem:$0x1E080] =	vst v63  }
0x22: {  	_ =	swait.ge [sflag:s19], $0x3E80  }
0x23: {  	[sflag:s19] =	ssyncset.done $0x0  }
0x24: {  	s30 =	simm.s32 $0x1400;
	[sflag:s19] =	ssyncadd.s32 $0xFFFFC180  }
0x25: {  	[spmem:s2] =	stream.indirect.scatter.add.f32 [tilespmem:s17], [sflag:$0x3], $0x80, s30, s16, $0xb8;
	[tilespmem:$0x1E080] =	vst v63  }
0x26: {  	_ =	swait.ge [sflag:s14], $0x3E80  }
0x27: {  	[sflag:s14] =	ssyncset.done $0x0  }
0x28: {  	[sflag:s14] =	ssyncadd.s32 $0xFFFFC180  }
0x29: {  	_ =	swait.ge [sflag:s20], $0x3E80  }
0x2a: {  	[sflag:s20] =	ssyncset.done $0x0  }
0x2b: {  	s31 =	simm.s32 $0x1480;
	[sflag:s20] =	ssyncadd.s32 $0xFFFFC180  }
0x2c: {  	[spmem:s2] =	stream.indirect.scatter.add.f32 [tilespmem:s18], [sflag:$0x3], $0x80, s31, s16, $0xb8;
	[tilespmem:$0x1E080] =	vst v63  }
0x2d: {  	_ =	swait.ge [sflag:s14], $0x3E80  }
0x2e: {  	s23 =	simm.s32 $0x800;
	s22 =	simm.s32 $0x400;
	[sflag:s14] =	ssyncset.done $0x0  }
.LBB2_2:
0x2f: {  	s24 =	sshra.s32 s22, $0x2  }
0x30: {  	[sflag:s14] =	ssyncadd.s32 $0xFFFFC180;
	s22 =	smov.u32 s23;
	s25 =	sadd.s32 $0x400, s23  }
0x31: {  	[tilespmem:s17], [sflag:$0x1] =	stream.indirect.gather [hbm4b:s1+s16], $0x80, s24, s16, $0xb8;
	[tilespmem:$0x1E080] =	vst v63  }
0x32: {  	p0 =	sne.s32 s23, $0x4C00;
	s23 =	sadd.s32 $0x80, s24  }
0x33: {  	[tilespmem:s18], [sflag:$0x2] =	stream.indirect.gather [hbm4b:s1+s16], $0x80, s23, s16, $0xb8;
	[tilespmem:$0x1E080] =	vst v63  }
0x34: {  	_ =	swait.ge [sflag:s19], $0x3E80  }
0x35: {  	[sflag:s19] =	ssyncset.done $0x0  }
0x36: {  	s23 =	sadd.s32 $0x1400, s24;
	[sflag:s19] =	ssyncadd.s32 $0xFFFFC180  }
0x37: {  	[spmem:s2] =	stream.indirect.scatter.add.f32 [tilespmem:s17], [sflag:$0x3], $0x80, s23, s16, $0xb8;
	[tilespmem:$0x1E080] =	vst v63  }
0x38: {  	_ =	swait.ge [sflag:s14], $0x3E80  }
0x39: {  	[sflag:s14] =	ssyncset.done $0x0  }
0x3a: {  	[sflag:s14] =	ssyncadd.s32 $0xFFFFC180  }
0x3b: {  	_ =	swait.ge [sflag:s20], $0x3E80  }
.Ltmp0:
0x3c: {  	[sflag:s20] =	ssyncset.done $0x0;
	(pc) =	sbr.rel @p0 .LBB2_2-.Ltmp0, $4  }
0x3d: {  	s23 =	sadd.s32 $0x1480, s24;
	[sflag:s20] =	ssyncadd.s32 $0xFFFFC180  }
0x3e: {  	[spmem:s2] =	stream.indirect.scatter.add.f32 [tilespmem:s18], [sflag:$0x3], $0x80, s23, s16, $0xb8;
	[tilespmem:$0x1E080] =	vst v63  }
0x3f: {  	_ =	swait.ge [sflag:s14], $0x3E80  }
0x40: {  	s23 =	smov.u32 s25;
	[sflag:s14] =	ssyncset.done $0x0  }
0x41: {  	s22 =	sshra.s32 s22, $0x2;
	[sflag:s14] =	ssyncadd.s32 $0xFFFFC180  }
0x42: {  	[tilespmem:s17], [sflag:$0x1] =	stream.indirect.gather [hbm4b:s1+s16], $0x80, s22, s16, $0xb8;
	[tilespmem:$0x1E080] =	vst v63  }
0x43: {  	s23 =	sadd.s32 $0x80, s22  }
0x44: {  	[tilespmem:s18], [sflag:$0x2] =	stream.indirect.gather [hbm4b:s1+s16], $0x80, s23, s16, $0xb8;
	[tilespmem:$0x1E080] =	vst v63  }
0x45: {  	_ =	swait.ge [sflag:s19], $0x3E80  }
0x46: {  	[sflag:s19] =	ssyncset.done $0x0  }
0x47: {  	s25 =	sadd.s32 $0x1400, s22;
	[sflag:s19] =	ssyncadd.s32 $0xFFFFC180  }
0x48: {  	[spmem:s2] =	stream.indirect.scatter.add.f32 [tilespmem:s17], [sflag:$0x3], $0x80, s25, s16, $0xb8;
	[tilespmem:$0x1E080] =	vst v63  }
0x49: {  	_ =	swait.ge [sflag:s14], $0x3E80  }
0x4a: {  	[sflag:s14] =	ssyncset.done $0x0  }
0x4b: {  	[sflag:s14] =	ssyncadd.s32 $0xFFFFC180  }
0x4c: {  	_ =	swait.ge [sflag:s20], $0x3E80  }
0x4d: {  	[sflag:s20] =	ssyncset.done $0x0  }
0x4e: {  	s22 =	sadd.s32 $0x1480, s22;
	[sflag:s20] =	ssyncadd.s32 $0xFFFFC180  }
0x4f: {  	[spmem:s2] =	stream.indirect.scatter.add.f32 [tilespmem:s18], [sflag:$0x3], $0x80, s22, s16, $0xb8;
	[tilespmem:$0x1E080] =	vst v63  }
0x50: {  	_ =	swait.ge [sflag:s14], $0x3E80  }
0x51: {  	[sflag:s14] =	ssyncset.done $0x0  }
0x52: {  	s26 =	simm.s32 $0x0;
	[sflag:s14] =	ssyncadd.s32 $0xFFFFC180  }
0x53: {  	[tilespmem:s26], [sflag:$0x3] =	stream.linear.gather [hbm4b:s9+s26], $0x1400, $0x38;
	[tilespmem:$0x1E080] =	vst v63  }
0x54: {  	_ =	swait.ge [sflag:s14], $0x1400  }
0x55: {  	[sflag:s14] =	ssyncset.done $0x0  }
0x56: {  	[sflag:s14] =	ssyncadd.s32 $0xFFFFEC00  }
0x57: {  	[tilespmem:s15], [sflag:$0x3] =	stream.linear.gather [hbm4b:s10+s26], $0x1400, $0x38;
	[tilespmem:$0x1E080] =	vst v63  }
0x58: {  	_ =	swait.ge [sflag:s14], $0x1400  }
0x59: {  	[sflag:s14] =	ssyncset.done $0x0  }
0x5a: {  	s28 =	simm.s32 $0x0;
	[sflag:s14] =	ssyncadd.s32 $0xFFFFEC00  }
0x5b: {  	[tilespmem:s17], [sflag:$0x1] =	stream.indirect.gather [hbm4b:s1+s16], $0x80, s28, s16, $0xb8;
	[tilespmem:$0x1E080] =	vst v63  }
0x5c: {  	s29 =	simm.s32 $0x80  }
0x5d: {  	[tilespmem:s18], [sflag:$0x2] =	stream.indirect.gather [hbm4b:s1+s16], $0x80, s29, s16, $0xb8;
	[tilespmem:$0x1E080] =	vst v63  }
0x5e: {  	_ =	swait.ge [sflag:s19], $0x3E80  }
0x5f: {  	[sflag:s19] =	ssyncset.done $0x0  }
0x60: {  	s30 =	simm.s32 $0x1400;
	[sflag:s19] =	ssyncadd.s32 $0xFFFFC180  }
0x61: {  	[spmem:s2] =	stream.indirect.scatter.add.f32 [tilespmem:s17], [sflag:$0x3], $0x80, s30, s16, $0xb8;
	[tilespmem:$0x1E080] =	vst v63  }
0x62: {  	_ =	swait.ge [sflag:s14], $0x3E80  }
0x63: {  	[sflag:s14] =	ssyncset.done $0x0  }
0x64: {  	[sflag:s14] =	ssyncadd.s32 $0xFFFFC180  }
0x65: {  	_ =	swait.ge [sflag:s20], $0x3E80  }
0x66: {  	[sflag:s20] =	ssyncset.done $0x0  }
0x67: {  	s31 =	simm.s32 $0x1480;
	[sflag:s20] =	ssyncadd.s32 $0xFFFFC180  }
0x68: {  	[spmem:s2] =	stream.indirect.scatter.add.f32 [tilespmem:s18], [sflag:$0x3], $0x80, s31, s16, $0xb8;
	[tilespmem:$0x1E080] =	vst v63  }
0x69: {  	_ =	swait.ge [sflag:s14], $0x3E80  }
0x6a: {  	s23 =	simm.s32 $0x800;
	s22 =	simm.s32 $0x400;
	[sflag:s14] =	ssyncset.done $0x0  }
.LBB2_4:
0x6b: {  	s24 =	sshra.s32 s22, $0x2  }
0x6c: {  	[sflag:s14] =	ssyncadd.s32 $0xFFFFC180;
	s22 =	smov.u32 s23;
	s25 =	sadd.s32 $0x400, s23  }
0x6d: {  	[tilespmem:s17], [sflag:$0x1] =	stream.indirect.gather [hbm4b:s1+s16], $0x80, s24, s16, $0xb8;
	[tilespmem:$0x1E080] =	vst v63  }
0x6e: {  	p0 =	sne.s32 s23, $0x4C00;
	s23 =	sadd.s32 $0x80, s24  }
0x6f: {  	[tilespmem:s18], [sflag:$0x2] =	stream.indirect.gather [hbm4b:s1+s16], $0x80, s23, s16, $0xb8;
	[tilespmem:$0x1E080] =	vst v63  }
0x70: {  	_ =	swait.ge [sflag:s19], $0x3E80  }
0x71: {  	[sflag:s19] =	ssyncset.done $0x0  }
0x72: {  	s23 =	sadd.s32 $0x1400, s24;
	[sflag:s19] =	ssyncadd.s32 $0xFFFFC180  }
0x73: {  	[spmem:s2] =	stream.indirect.scatter.add.f32 [tilespmem:s17], [sflag:$0x3], $0x80, s23, s16, $0xb8;
	[tilespmem:$0x1E080] =	vst v63  }
0x74: {  	_ =	swait.ge [sflag:s14], $0x3E80  }
0x75: {  	[sflag:s14] =	ssyncset.done $0x0  }
0x76: {  	[sflag:s14] =	ssyncadd.s32 $0xFFFFC180  }
0x77: {  	_ =	swait.ge [sflag:s20], $0x3E80  }
.Ltmp1:
0x78: {  	[sflag:s20] =	ssyncset.done $0x0;
	(pc) =	sbr.rel @p0 .LBB2_4-.Ltmp1, $4  }
0x79: {  	s23 =	sadd.s32 $0x1480, s24;
	[sflag:s20] =	ssyncadd.s32 $0xFFFFC180  }
0x7a: {  	[spmem:s2] =	stream.indirect.scatter.add.f32 [tilespmem:s18], [sflag:$0x3], $0x80, s23, s16, $0xb8;
	[tilespmem:$0x1E080] =	vst v63  }
0x7b: {  	_ =	swait.ge [sflag:s14], $0x3E80  }
0x7c: {  	s23 =	smov.u32 s25;
	[sflag:s14] =	ssyncset.done $0x0  }
0x7d: {  	s22 =	sshra.s32 s22, $0x2;
	[sflag:s14] =	ssyncadd.s32 $0xFFFFC180  }
0x7e: {  	[tilespmem:s17], [sflag:$0x1] =	stream.indirect.gather [hbm4b:s1+s16], $0x80, s22, s16, $0xb8;
	[tilespmem:$0x1E080] =	vst v63  }
0x7f: {  	s23 =	sadd.s32 $0x80, s22  }
0x80: {  	[tilespmem:s18], [sflag:$0x2] =	stream.indirect.gather [hbm4b:s1+s16], $0x80, s23, s16, $0xb8;
	[tilespmem:$0x1E080] =	vst v63  }
0x81: {  	_ =	swait.ge [sflag:s19], $0x3E80  }
0x82: {  	[sflag:s19] =	ssyncset.done $0x0  }
0x83: {  	s31 =	sadd.s32 $0x1400, s22;
	[sflag:s19] =	ssyncadd.s32 $0xFFFFC180  }
0x84: {  	[spmem:s2] =	stream.indirect.scatter.add.f32 [tilespmem:s17], [sflag:$0x3], $0x80, s31, s16, $0xb8;
	[tilespmem:$0x1E080] =	vst v63  }
0x85: {  	_ =	swait.ge [sflag:s14], $0x3E80  }
0x86: {  	[sflag:s14] =	ssyncset.done $0x0  }
0x87: {  	[sflag:s14] =	ssyncadd.s32 $0xFFFFC180  }
0x88: {  	_ =	swait.ge [sflag:s20], $0x3E80  }
0x89: {  	[sflag:s20] =	ssyncset.done $0x0  }
0x8a: {  	s22 =	sadd.s32 $0x1480, s22;
	[sflag:s20] =	ssyncadd.s32 $0xFFFFC180  }
0x8b: {  	[spmem:s2] =	stream.indirect.scatter.add.f32 [tilespmem:s18], [sflag:$0x3], $0x80, s22, s16, $0xb8;
	[tilespmem:$0x1E080] =	vst v63  }
0x8c: {  	_ =	swait.ge [sflag:s14], $0x3E80  }
0x8d: {  	s21 =	sadd.s32 $0x1, s21;
	[sflag:s14] =	ssyncset.done $0x0  }
0x8e: {  	p0 =	sne.s32 s21, s12;
	[sflag:s14] =	ssyncadd.s32 $0xFFFFC180  }
.Ltmp2:
0x8f: {  	[bflag:$0x0] =	sbarrier.arrive $0xFFFF;
	(pc) =	sbr.rel @p0 .LBB2_1-.Ltmp2, $4  }
0x90: {  	[hbm:s11], [sflag:s6] =	dma.local [spmem:s13], $0x2710  }
0x91: {  	_ =	swait.ge [sflag:s14], $0x2710  }
0x92: {  	[sflag:s14] =	ssyncset.done $0x0  }
0x93: {  	[sflag:s14] =	ssyncadd.s32 $0xFFFFD8F0  }
0x94: {  	_ =	sfence.sel $0x180000  }
0x95: {  	[bflag:$0x0] =	sbarrier.arrive $0xFFFF  }
0x96: {  	p0 =	sne.s32 s3, $0x0;
	_ =	strace $0x9000004A  }
0x97: {  	s0 =	sadd.s32 @!p0 $0x100000, s0;
	[bflag:$0x2] =	sbarrier.arrive $0xFFFF  }
0x98: {  	[sflag:s0] =	ssyncadd.tile.s32 @!p0 $0x1;
	_ =	shalt  }
.Lfunc_end2:
_tile_overlayer_lowered:
.L_overlay_start_2:
0x99: {  	(tag) =	ssettag $0x2  }
0x9a: {  	s0 =	rddreg [dreg:$0x0];
	s2 =	stileid.u32  }
0x9b: {  	s1 =	rddreg [dreg:$0x1];
	p0 =	sne.s32 s2, $0x0  }
0x9c: {  	s3 =	rddreg [dreg:$0x2];
	[bflag:$0x3] =	sbarrier.arrive $0xFFFF;
	s2 =	simm.s32 @!p0 $0x1C03  }
0x9d: {  	[timem:s3], [sflag:s2] =	dma.local @!p0 [hbm:s0], s1  }
0x9e: {  	s0 =	simm.s32 @!p0 $0x3  }
0x9f: {  	_ =	swait.ge @!p0 [sflag:s0], s1  }
0xa0: {  	s1 =	ssub.s32 @!p0 $0x0, s1;
	[sflag:s0] =	ssyncset.done @!p0 $0x0  }
0xa1: {  	[sflag:s0] =	ssyncadd.s32 @!p0 s1  }
0xa2: {  	[bflag:$0x3] =	sbarrier.arrive $0xFFFF  }
0xa3: {  	_ =	shalt  }

// kernel: kernel.14.cloned.1.call-start
scs
__scs_entry_jumppad:
0x0: {  	(pc) =	sbr.rel $0x88, $3  }
0x1: {  	(tag) =	ssettag $0x0;
	lr =	simm.s32 $0x1  }
0x2: {  	[smem:$0x3F9B] =	sst lr;
	_ =	strace $0xD0000000  }
0x3: {  	_ = 	snop  }
0x4: {  	_ = 	snop  }
0x5: {  	_ = 	snop  }
0x6: {  	_ = 	snop  }
0x7: {  	_ = 	snop  }
__scs_overlays_trampoline_lowered:
0x8: {  	[smem:$0x3FAA] =	sst s0  }
0x9: {  	[smem:$0x3FAB] =	sst s1  }
0xa: {  	[smem:$0x3FAC] =	sst s2  }
0xb: {  	[smem:$0x3FAD] =	sst s3  }
0xc: {  	[smem:$0x3FAE] =	sst s4  }
0xd: {  	[smem:$0x3FAF] =	sst s5  }
0xe: {  	[smem:$0x3FB0] =	sst s6  }
0xf: {  	[smem:$0x3FB1] =	sst s7  }
0x10: {  	[smem:$0x3FB2] =	sst s8  }
0x11: {  	[smem:$0x3FB3] =	sst s9;
	s0 =	simm.s32 @!p0 $0x0  }
0x12: {  	s1 =	sld [smem:$0x3F99];
	s0 =	simm.s32 @p0 $0x1  }
0x13: {  	[smem:$0x3FB4] =	sst s0;
	s0 =	simm.s32 @!p1 $0x0  }
0x14: {  	s2 =	sld [smem:$0x3F98];
	s0 =	simm.s32 @p1 $0x1  }
0x15: {  	[smem:$0x3FB5] =	sst s0;
	s0 =	simm.s32 @!p2 $0x0  }
0x16: {  	s3 =	sld [smem:$0x3FDB];
	s0 =	simm.s32 @p2 $0x1  }
0x17: {  	s4 =	simm.s32 $0x1BF5;
	[smem:$0x3FB7] =	sst s0  }
0x18: {  	s0 =	sld [smem:$0x3F9A];
	_ =	swait.ge [sflag:s4], $0x0  }
0x19: {  	s7 =	sld [smem:$0x3F9B]  }
0x1a: {  	s8 =	sadd.s32 $0xFFFFE003, lr  }
0x1b: {  	s9 =	sadd.s32 $0xFFFFFEF7, lr;
	s5 =	simm.s32 $0xFFFFFFFF;
	p2 =	slt.u32 s8, $0xFFFFF086  }
0x1c: {  	p1 =	slt.u32 s9, $0xF7A;
	s5 =	simm.s32 @!p2 $0x0  }
0x1d: {  	s5 =	simm.s32 @p1 $0x1;
	p0 =	seq.s32 s7, s2  }
0x1e: {  	s7 =	smul.u32 @!p0 $0xF7A, s2;
	p2 =	seq.s32 @!p0 s5, $0x0  }
0x1f: {  	s9 =	smul.u32 $0xF7A, s1;
	s8 =	simm.s32 @!p0 $0x1BF5;
	p2 =	por !p2, p0  }
0x20: {  	[sflag:s8] =	ssyncset.s32 @!p0 $0xFFFFF086;
	s6 =	sadd.s32 @!p0 s3, s7;
	s7 =	simm.s32 @!p0 $0x108  }
0x21: {  	s3 =	sadd.s32 s3, s9;
	s6 =	sadd.s32 @!p0 $0x88, s6;
	s7 =	simm.s32 @p2 $0x1082  }
0x22: {  	[simem:s7], [sflag:s8] =	dma.local @!p0 [hbm:s6], $0xF7A  }
0x23: {  	s9 =	sor.u32 $0xD0000000, s2;
	s6 =	simm.s32 $0x108;
	_ =	swait.ge @!p0 [sflag:s8], $0x0  }
0x24: {  	s3 =	sadd.s32 $0x88, s3;
	s6 =	simm.s32 @!p1 $0x1082;
	[sflag:s4] =	ssyncset.s32 $0xFFFFF086  }
0x25: {  	[simem:s6], [sflag:s4] =	dma.local [hbm:s3], $0xF7A  }
0x26: {  	[smem:$0x3F9B] =	sst s1;
	(tag) =	ssettag s2;
	_ =	strace s9  }
0x27: {  	s1 =	sld [smem:$0x3FAB]  }
0x28: {  	s2 =	sld [smem:$0x3FAC]  }
0x29: {  	s4 =	sld [smem:$0x3FAE]  }
0x2a: {  	p0 =	seq.s32 s5, $0x0;
	s5 =	sld [smem:$0x3FAF]  }
0x2b: {  	s6 =	sld [smem:$0x3FB0]  }
0x2c: {  	s7 =	sld [smem:$0x3FB1]  }
0x2d: {  	s3 =	simm.s32 $0x108;
	s8 =	sld [smem:$0x3FB2]  }
0x2e: {  	s3 =	simm.s32 @!p0 $0x1082;
	s9 =	sld [smem:$0x3FB3]  }
0x2f: {  	lr =	sadd.s32 s0, s3;
	s0 =	sld [smem:$0x3FAA]  }
0x30: {  	s3 =	sld [smem:$0x3FAD]  }
0x31: {  	[smem:$0x3FB6] =	sst s10  }
0x32: {  	s10 =	sld [smem:$0x3FB4];
	_ =	sdelay $0x3  }
0x33: {  	p0 =	seq.s32 s10, $0x1;
	s10 =	sld [smem:$0x3FB6];
	_ =	sdelay $0x3  }
0x34: {  	[smem:$0x3FB6] =	sst s10  }
0x35: {  	s10 =	sld [smem:$0x3FB5];
	_ =	sdelay $0x3  }
0x36: {  	p1 =	seq.s32 s10, $0x1;
	s10 =	sld [smem:$0x3FB6];
	_ =	sdelay $0x3  }
0x37: {  	[smem:$0x3FB6] =	sst s10  }
0x38: {  	s10 =	sld [smem:$0x3FB7]  }
0x39: {  	_ = 	snop;
	(pc) =	sbr.ind lr, $3  }
0x3a: {  	_ = 	snop  }
0x3b: {  	_ = 	snop  }
0x3c: {  	p2 =	seq.s32 s10, $0x1;
	s10 =	sld [smem:$0x3FB6]  }
0x3d: {  	_ =	shalt  }
0x3e: {  	_ =	shalt  }
0x3f: {  	_ =	shalt  }
0x40: {  	_ =	shalt  }
0x41: {  	_ =	shalt  }
0x42: {  	_ =	shalt  }
0x43: {  	_ =	shalt  }
0x44: {  	_ =	shalt  }
0x45: {  	_ =	shalt  }
0x46: {  	_ =	shalt  }
0x47: {  	_ =	shalt  }
0x48: {  	_ =	shalt  }
0x49: {  	_ =	shalt  }
0x4a: {  	_ =	shalt  }
0x4b: {  	_ =	shalt  }
0x4c: {  	_ =	shalt  }
0x4d: {  	_ =	shalt  }
0x4e: {  	_ =	shalt  }
0x4f: {  	_ =	shalt  }
0x50: {  	_ =	shalt  }
0x51: {  	_ =	shalt  }
0x52: {  	_ =	shalt  }
0x53: {  	_ =	shalt  }
0x54: {  	_ =	shalt  }
0x55: {  	_ =	shalt  }
0x56: {  	_ =	shalt  }
0x57: {  	_ =	shalt  }
0x58: {  	_ =	shalt  }
0x59: {  	_ =	shalt  }
0x5a: {  	_ =	shalt  }
0x5b: {  	_ =	shalt  }
0x5c: {  	_ =	shalt  }
0x5d: {  	_ =	shalt  }
0x5e: {  	_ =	shalt  }
0x5f: {  	_ =	shalt  }
0x60: {  	_ =	shalt  }
0x61: {  	_ =	shalt  }
0x62: {  	_ =	shalt  }
0x63: {  	_ =	shalt  }
0x64: {  	_ =	shalt  }
0x65: {  	_ =	shalt  }
0x66: {  	_ =	shalt  }
0x67: {  	_ =	shalt  }
0x68: {  	_ =	shalt  }
0x69: {  	_ =	shalt  }
0x6a: {  	_ =	shalt  }
0x6b: {  	_ =	shalt  }
0x6c: {  	_ =	shalt  }
0x6d: {  	_ =	shalt  }
0x6e: {  	_ =	shalt  }
0x6f: {  	_ =	shalt  }
0x70: {  	_ =	shalt  }
0x71: {  	_ =	shalt  }
0x72: {  	_ =	shalt  }
0x73: {  	_ =	shalt  }
0x74: {  	_ =	shalt  }
0x75: {  	_ =	shalt  }
0x76: {  	_ =	shalt  }
0x77: {  	_ =	shalt  }
0x78: {  	_ =	shalt  }
0x79: {  	_ =	shalt  }
0x7a: {  	_ =	shalt  }
0x7b: {  	_ =	shalt  }
0x7c: {  	_ =	shalt  }
0x7d: {  	_ =	shalt  }
0x7e: {  	_ =	shalt  }
0x7f: {  	_ =	shalt  }
0x80: {  	_ =	shalt  }
0x81: {  	_ =	shalt  }
0x82: {  	_ =	shalt  }
0x83: {  	_ =	shalt  }
0x84: {  	_ =	shalt  }
0x85: {  	_ =	shalt  }
0x86: {  	_ =	shalt  }
0x87: {  	_ =	shalt  }
.Lfunc_end0:
.L_simem_size_0:
called_computation.2_lowered:
.L_overlay_start_0:
0x88: {  	s2 =	sld [smem:$0x3FD9]  }
0x89: {  	s3 =	sld [smem:$0x3FFE];
	_ =	sdelay $0x1  }
0x8a: {  	s1 =	srdreg.scid  }
0x8b: {  	s0 =	sand.u32 $0x1, s1  }
0x8c: {  	s17 =	sshll.u32 s0, $0xA;
	s2 =	sadd.s32 s3, s2  }
0x8d: {  	s2 =	sadd.s32 s2, s17  }
0x8e: {  	[smem:$0x3FC2] =	sst s2  }
0x8f: {  	_ = 	snop  }
0x90: {  	s2 =	sld [smem:$0x3FD0];
	(tm) =	ssettm $0x1  }
0x91: {  	s18 =	sld [smem:$0x3FFB];
	_ =	sdelay $0x3  }
0x92: {  	_ =	strace s18  }
0x93: {  	s3 =	sld [smem:$0x3FFC];
	_ =	sdelay $0x3  }
0x94: {  	_ =	strace s3  }
0x95: {  	s3 =	sld [smem:$0x3FFD];
	_ =	sdelay $0x3  }
0x96: {  	_ =	strace s3  }
0x97: {  	_ =	strace $0x8FFFFFFF  }
0x98: {  	s19 =	sld [smem:$0x3FDB];
	_ =	sdelay $0x1  }
0x99: {  	s4 =	simm.s32 $_scs_section_size  }
0x9a: {  	s5 =	simm.s32 $_size__tile_overlayer_lowered;
	s6 =	simm.s32 $_tile_overlayer_lowered  }
0x9b: {  	s22 =	simm.s32 $0x1BFF;
	s21 =	sshll.u32 s6, $0x1;
	s3 =	sadd.s32 s4, s19  }
0x9c: {  	s7 =	simm.s32 $0x0;
	s20 =	sshll.u32 s5, $0x1;
	s5 =	sadd.s32 s21, s3  }
0x9d: {  	[timem:s7], [sflag:s22] =	dma.local [hbm:s5], s20  }
0x9e: {  	_ =	swait.ge [sflag:s22], s20  }
0x9f: {  	s4 =	ssub.s32 $0x0, s20;
	[sflag:s22] =	ssyncset.done $0x0  }
0xa0: {  	[sflag:s22] =	ssyncadd.s32 s4;
	_ =	sdelay $0x1  }
0xa1: {  	s23 =	simm.s32 $0x1B8B  }
0xa2: {  	_ =	swait.ge [sflag:s23], $0x1  }
0xa3: {  	[sflag:s23] =	ssyncset.done $0x0  }
0xa4: {  	s25 =	simm.s32 $0x1B8E;
	s24 =	sld [smem:$0x3FFE];
	[sflag:s23] =	ssyncadd.s32 $0xFFFFFFFF  }
0xa5: {  	s26 =	simm.s32 $execute0_lowered;
	[smem:$0x3FD2] =	sst s25  }
0xa6: {  	s5 =	sshll.u32 s26, $0x1;
	_ =	strace $0x8000004C;
	[dreg:$0x1] =	wrdreg $0xFFFFFFFF  }
0xa7: {  	s28 =	simm.s32 $_size_execute0_lowered;
	s3 =	sadd.s32 s3, s5;
	[dreg:$0x0] =	wrdreg $0x0  }
0xa8: {  	s5 =	sshll.u32 s28, $0x1;
	[dreg:$0x2] =	wrdreg s3  }
0xa9: {  	[dreg:$0x3] =	wrdreg s5  }
0xaa: {  	[dreg:$0x4] =	wrdreg $0xC0  }
0xab: {  	_ =	task [dreg:s7], $0x5FFFF  }
0xac: {  	[dreg:$0x1] =	wrdreg $0xFFFFFFFF  }
0xad: {  	[dreg:$0x0] =	wrdreg $0x60  }
0xae: {  	[dreg:$0x2] =	wrdreg s2  }
0xaf: {  	[dreg:$0x3] =	wrdreg s24  }
0xb0: {  	[dreg:$0x4] =	wrdreg $0xA8000  }
0xb1: {  	[dreg:$0x5] =	wrdreg $0x9  }
0xb2: {  	_ =	task.clear_ibuf [dreg:s7], $0x6FFFF;
	_ =	strace $0x9000004C  }
0xb3: {  	s29 =	simm.s32 $0x9;
	_ =	strace $0x8000004E  }
0xb4: {  	_ =	swait.ge [sflag:s29], $0x1  }
0xb5: {  	[sflag:s29] =	ssyncadd.s32 $0xFFFFFFFF  }
0xb6: {  	_ =	strace $0x9000004E  }
0xb7: {  	_ =	sfence  }
0xb8: {  	s30 =	sld [smem:$0x0];
	_ =	sdelay $0x2  }
0xb9: {  	s31 =	sshll.u32 s1, $0xD;
	s1 =	sshrl.u32 s1, $0x2  }
0xba: {  	s3 =	sand.u32 $0x4000, s31;
	s1 =	sadd.s32 s1, s30  }
0xbb: {  	s0 =	sor.u32 s3, s0;
	s1 =	sshll.u32 s1, $0x11  }
0xbc: {  	s0 =	sor.u32 s1, s0  }
0xbd: {  	s0 =	sadd.s32 $0x8F2B, s0  }
0xbe: {  	[sflag:s0] =	ssyncadd.remote.s32 $0x1  }
0xbf: {  	_ =	sfence.sel $0xFFFF  }
0xc0: {  	[dreg:$0x0] =	wrdreg $0xFFFFFFFF;
	(pc) =	sbr.abs _section_cstart, $3  }
0xc1: {  	[dreg:$0x1] =	wrdreg $0xFFFFFFFF  }
0xc2: {  	_ =	task.clear_ibuf [dreg:s7], $0x2FFFF;
	_ =	strace $0x9FFFFFFF  }
0xc3: {  	(tm) =	ssettm $0x7FFFFFFF  }
tec
execute0_lowered:
.L_overlay_start_1:
0x0: {  	(tag) =	ssettag $0x1  }
0x1: {  	s1 =	rddreg [dreg:$0x0]  }
0x2: {  	s6 =	rddreg [dreg:$0x1]  }
0x3: {  	s2 =	rddreg [dreg:$0x2];
	s3 =	srdreg.scid  }
0x4: {  	s0 =	rddreg [dreg:$0x3];
	s4 =	simm.s32 $0x0;
	s15 =	simm.s32 $0x1400  }
0x5: {  	s16 =	simm.s32 $0x7D;
	s17 =	simm.s32 $0x2800;
	s18 =	simm.s32 $0x6800  }
0x6: {  	s19 =	simm.s32 $0x1;
	s20 =	simm.s32 $0x2;
	s21 =	simm.s32 $0x0  }
0x7: {  	s5 =	sand.u32 $0x1, s3;
	s3 =	stileid.u32;
	[smem:$0x7FF] =	sst s4  }
0x8: {  	s9 =	sadd.s32 $0x5DE00, s6;
	s10 =	sadd.s32 $0x2600, s6;
	s7 =	smul.u32 $0x13C000, s5  }
0x9: {  	s8 =	smul.u32 $0x13C00, s3;
	_ =	strace $0x8000004D;
	s23 =	sshll.u32 s5, $0x4  }
0xa: {  	s11 =	ssub.s32 $0x2, s5;
	s25 =	smul.u32 $0x4E200, s3;
	s5 =	sadd.s32 $0xC600, s6  }
0xb: {  	s28 =	sshll.u32 s3, $0x6;
	s24 =	sor.u32 s3, s23;
	s12 =	sshrl.u32 s11, $0x1  }
0xc: {  	s7 =	sadd.s32 s8, s7;
	s13 =	smul.u32 $0x2800, s24;
	s26 =	sshrl.u32 s25, $0x2  }
0xd: {  	s12 =	ssub.s32 s11, s12;
	s7 =	sshrl.u32 s7, $0x3;
	s30 =	sadd.s32 s26, s2  }
0xe: {  	s12 =	smax.u32 s12, $0x1;
	s14 =	sadd.s32 s7, s6;
	s29 =	sshrl.u32 s13, $0x3  }
0xf: {  	s6 =	sor.u32 $0x1C03, s28;
	s13 =	sshrl.u32 s30, $0x3;
	s31 =	sadd.s32 $0x280, s29  }
0x10: {  	s7 =	sadd.s32 s9, s29;
	s8 =	sadd.s32 s10, s29;
	s11 =	sadd.s32 $0xEE00, s14  }
0x11: {  	s14 =	simm.s32 $0x3;
	s9 =	sadd.s32 s9, s31;
	s10 =	sadd.s32 s10, s31  }
.LBB2_1:
0x12: {  	[spmem:s13], [sflag:s6] =	dma.local [hbm:s5], $0x2710  }
0x13: {  	_ =	swait.ge [sflag:s14], $0x2710  }
0x14: {  	[sflag:s14] =	ssyncset.done $0x0  }
0x15: {  	[sflag:s14] =	ssyncadd.s32 $0xFFFFD8F0  }
0x16: {  	[bflag:$0x0] =	sbarrier.arrive $0xFFFF  }
0x17: {  	[tilespmem:s4], [sflag:$0x3] =	stream.linear.gather [hbm4b:s7+s4], $0x1400, $0x38;
	[tilespmem:$0x1E080] =	vst v63  }
0x18: {  	_ =	swait.ge [sflag:s14], $0x1400  }
0x19: {  	[sflag:s14] =	ssyncset.done $0x0  }
0x1a: {  	[sflag:s14] =	ssyncadd.s32 $0xFFFFEC00  }
0x1b: {  	[tilespmem:s15], [sflag:$0x3] =	stream.linear.gather [hbm4b:s8+s4], $0x1400, $0x38;
	[tilespmem:$0x1E080] =	vst v63  }
0x1c: {  	_ =	swait.ge [sflag:s14], $0x1400  }
0x1d: {  	[sflag:s14] =	ssyncset.done $0x0  }
0x1e: {  	s22 =	simm.s32 $0x0;
	[sflag:s14] =	ssyncadd.s32 $0xFFFFEC00  }
0x1f: {  	[tilespmem:s17], [sflag:$0x1] =	stream.indirect.gather [hbm4b:s1+s16], $0x80, s22, s16, $0xb8;
	[tilespmem:$0x1E080] =	vst v63  }
0x20: {  	s29 =	simm.s32 $0x80  }
0x21: {  	[tilespmem:s18], [sflag:$0x2] =	stream.indirect.gather [hbm4b:s1+s16], $0x80, s29, s16, $0xb8;
	[tilespmem:$0x1E080] =	vst v63  }
0x22: {  	_ =	swait.ge [sflag:s19], $0x3E80  }
0x23: {  	[sflag:s19] =	ssyncset.done $0x0  }
0x24: {  	s30 =	simm.s32 $0x1400;
	[sflag:s19] =	ssyncadd.s32 $0xFFFFC180  }
0x25: {  	[spmem:s2] =	stream.indirect.scatter.add.f32 [tilespmem:s17], [sflag:$0x3], $0x80, s30, s16, $0xb8;
	[tilespmem:$0x1E080] =	vst v63  }
0x26: {  	_ =	swait.ge [sflag:s14], $0x3E80  }
0x27: {  	[sflag:s14] =	ssyncset.done $0x0  }
0x28: {  	[sflag:s14] =	ssyncadd.s32 $0xFFFFC180  }
0x29: {  	_ =	swait.ge [sflag:s20], $0x3E80  }
0x2a: {  	[sflag:s20] =	ssyncset.done $0x0  }
0x2b: {  	s31 =	simm.s32 $0x1480;
	[sflag:s20] =	ssyncadd.s32 $0xFFFFC180  }
0x2c: {  	[spmem:s2] =	stream.indirect.scatter.add.f32 [tilespmem:s18], [sflag:$0x3], $0x80, s31, s16, $0xb8;
	[tilespmem:$0x1E080] =	vst v63  }
0x2d: {  	_ =	swait.ge [sflag:s14], $0x3E80  }
0x2e: {  	s23 =	simm.s32 $0x800;
	s22 =	simm.s32 $0x400;
	[sflag:s14] =	ssyncset.done $0x0  }
.LBB2_2:
0x2f: {  	s24 =	sshra.s32 s22, $0x2  }
0x30: {  	[sflag:s14] =	ssyncadd.s32 $0xFFFFC180;
	s22 =	smov.u32 s23;
	s25 =	sadd.s32 $0x400, s23  }
0x31: {  	[tilespmem:s17], [sflag:$0x1] =	stream.indirect.gather [hbm4b:s1+s16], $0x80, s24, s16, $0xb8;
	[tilespmem:$0x1E080] =	vst v63  }
0x32: {  	p0 =	sne.s32 s23, $0x4C00;
	s23 =	sadd.s32 $0x80, s24  }
0x33: {  	[tilespmem:s18], [sflag:$0x2] =	stream.indirect.gather [hbm4b:s1+s16], $0x80, s23, s16, $0xb8;
	[tilespmem:$0x1E080] =	vst v63  }
0x34: {  	_ =	swait.ge [sflag:s19], $0x3E80  }
0x35: {  	[sflag:s19] =	ssyncset.done $0x0  }
0x36: {  	s23 =	sadd.s32 $0x1400, s24;
	[sflag:s19] =	ssyncadd.s32 $0xFFFFC180  }
0x37: {  	[spmem:s2] =	stream.indirect.scatter.add.f32 [tilespmem:s17], [sflag:$0x3], $0x80, s23, s16, $0xb8;
	[tilespmem:$0x1E080] =	vst v63  }
0x38: {  	_ =	swait.ge [sflag:s14], $0x3E80  }
0x39: {  	[sflag:s14] =	ssyncset.done $0x0  }
0x3a: {  	[sflag:s14] =	ssyncadd.s32 $0xFFFFC180  }
0x3b: {  	_ =	swait.ge [sflag:s20], $0x3E80  }
.Ltmp0:
0x3c: {  	[sflag:s20] =	ssyncset.done $0x0;
	(pc) =	sbr.rel @p0 .LBB2_2-.Ltmp0, $4  }
0x3d: {  	s23 =	sadd.s32 $0x1480, s24;
	[sflag:s20] =	ssyncadd.s32 $0xFFFFC180  }
0x3e: {  	[spmem:s2] =	stream.indirect.scatter.add.f32 [tilespmem:s18], [sflag:$0x3], $0x80, s23, s16, $0xb8;
	[tilespmem:$0x1E080] =	vst v63  }
0x3f: {  	_ =	swait.ge [sflag:s14], $0x3E80  }
0x40: {  	s23 =	smov.u32 s25;
	[sflag:s14] =	ssyncset.done $0x0  }
0x41: {  	s22 =	sshra.s32 s22, $0x2;
	[sflag:s14] =	ssyncadd.s32 $0xFFFFC180  }
0x42: {  	[tilespmem:s17], [sflag:$0x1] =	stream.indirect.gather [hbm4b:s1+s16], $0x80, s22, s16, $0xb8;
	[tilespmem:$0x1E080] =	vst v63  }
0x43: {  	s23 =	sadd.s32 $0x80, s22  }
0x44: {  	[tilespmem:s18], [sflag:$0x2] =	stream.indirect.gather [hbm4b:s1+s16], $0x80, s23, s16, $0xb8;
	[tilespmem:$0x1E080] =	vst v63  }
0x45: {  	_ =	swait.ge [sflag:s19], $0x3E80  }
0x46: {  	[sflag:s19] =	ssyncset.done $0x0  }
0x47: {  	s25 =	sadd.s32 $0x1400, s22;
	[sflag:s19] =	ssyncadd.s32 $0xFFFFC180  }
0x48: {  	[spmem:s2] =	stream.indirect.scatter.add.f32 [tilespmem:s17], [sflag:$0x3], $0x80, s25, s16, $0xb8;
	[tilespmem:$0x1E080] =	vst v63  }
0x49: {  	_ =	swait.ge [sflag:s14], $0x3E80  }
0x4a: {  	[sflag:s14] =	ssyncset.done $0x0  }
0x4b: {  	[sflag:s14] =	ssyncadd.s32 $0xFFFFC180  }
0x4c: {  	_ =	swait.ge [sflag:s20], $0x3E80  }
0x4d: {  	[sflag:s20] =	ssyncset.done $0x0  }
0x4e: {  	s22 =	sadd.s32 $0x1480, s22;
	[sflag:s20] =	ssyncadd.s32 $0xFFFFC180  }
0x4f: {  	[spmem:s2] =	stream.indirect.scatter.add.f32 [tilespmem:s18], [sflag:$0x3], $0x80, s22, s16, $0xb8;
	[tilespmem:$0x1E080] =	vst v63  }
0x50: {  	_ =	swait.ge [sflag:s14], $0x3E80  }
0x51: {  	[sflag:s14] =	ssyncset.done $0x0  }
0x52: {  	s26 =	simm.s32 $0x0;
	[sflag:s14] =	ssyncadd.s32 $0xFFFFC180  }
0x53: {  	[tilespmem:s26], [sflag:$0x3] =	stream.linear.gather [hbm4b:s9+s26], $0x1400, $0x38;
	[tilespmem:$0x1E080] =	vst v63  }
0x54: {  	_ =	swait.ge [sflag:s14], $0x1400  }
0x55: {  	[sflag:s14] =	ssyncset.done $0x0  }
0x56: {  	[sflag:s14] =	ssyncadd.s32 $0xFFFFEC00  }
0x57: {  	[tilespmem:s15], [sflag:$0x3] =	stream.linear.gather [hbm4b:s10+s26], $0x1400, $0x38;
	[tilespmem:$0x1E080] =	vst v63  }
0x58: {  	_ =	swait.ge [sflag:s14], $0x1400  }
0x59: {  	[sflag:s14] =	ssyncset.done $0x0  }
0x5a: {  	s28 =	simm.s32 $0x0;
	[sflag:s14] =	ssyncadd.s32 $0xFFFFEC00  }
0x5b: {  	[tilespmem:s17], [sflag:$0x1] =	stream.indirect.gather [hbm4b:s1+s16], $0x80, s28, s16, $0xb8;
	[tilespmem:$0x1E080] =	vst v63  }
0x5c: {  	s29 =	simm.s32 $0x80  }
0x5d: {  	[tilespmem:s18], [sflag:$0x2] =	stream.indirect.gather [hbm4b:s1+s16], $0x80, s29, s16, $0xb8;
	[tilespmem:$0x1E080] =	vst v63  }
0x5e: {  	_ =	swait.ge [sflag:s19], $0x3E80  }
0x5f: {  	[sflag:s19] =	ssyncset.done $0x0  }
0x60: {  	s30 =	simm.s32 $0x1400;
	[sflag:s19] =	ssyncadd.s32 $0xFFFFC180  }
0x61: {  	[spmem:s2] =	stream.indirect.scatter.add.f32 [tilespmem:s17], [sflag:$0x3], $0x80, s30, s16, $0xb8;
	[tilespmem:$0x1E080] =	vst v63  }
0x62: {  	_ =	swait.ge [sflag:s14], $0x3E80  }
0x63: {  	[sflag:s14] =	ssyncset.done $0x0  }
0x64: {  	[sflag:s14] =	ssyncadd.s32 $0xFFFFC180  }
0x65: {  	_ =	swait.ge [sflag:s20], $0x3E80  }
0x66: {  	[sflag:s20] =	ssyncset.done $0x0  }
0x67: {  	s31 =	simm.s32 $0x1480;
	[sflag:s20] =	ssyncadd.s32 $0xFFFFC180  }
0x68: {  	[spmem:s2] =	stream.indirect.scatter.add.f32 [tilespmem:s18], [sflag:$0x3], $0x80, s31, s16, $0xb8;
	[tilespmem:$0x1E080] =	vst v63  }
0x69: {  	_ =	swait.ge [sflag:s14], $0x3E80  }
0x6a: {  	s23 =	simm.s32 $0x800;
	s22 =	simm.s32 $0x400;
	[sflag:s14] =	ssyncset.done $0x0  }
.LBB2_4:
0x6b: {  	s24 =	sshra.s32 s22, $0x2  }
0x6c: {  	[sflag:s14] =	ssyncadd.s32 $0xFFFFC180;
	s22 =	smov.u32 s23;
	s25 =	sadd.s32 $0x400, s23  }
0x6d: {  	[tilespmem:s17], [sflag:$0x1] =	stream.indirect.gather [hbm4b:s1+s16], $0x80, s24, s16, $0xb8;
	[tilespmem:$0x1E080] =	vst v63  }
0x6e: {  	p0 =	sne.s32 s23, $0x4C00;
	s23 =	sadd.s32 $0x80, s24  }
0x6f: {  	[tilespmem:s18], [sflag:$0x2] =	stream.indirect.gather [hbm4b:s1+s16], $0x80, s23, s16, $0xb8;
	[tilespmem:$0x1E080] =	vst v63  }
0x70: {  	_ =	swait.ge [sflag:s19], $0x3E80  }
0x71: {  	[sflag:s19] =	ssyncset.done $0x0  }
0x72: {  	s23 =	sadd.s32 $0x1400, s24;
	[sflag:s19] =	ssyncadd.s32 $0xFFFFC180  }
0x73: {  	[spmem:s2] =	stream.indirect.scatter.add.f32 [tilespmem:s17], [sflag:$0x3], $0x80, s23, s16, $0xb8;
	[tilespmem:$0x1E080] =	vst v63  }
0x74: {  	_ =	swait.ge [sflag:s14], $0x3E80  }
0x75: {  	[sflag:s14] =	ssyncset.done $0x0  }
0x76: {  	[sflag:s14] =	ssyncadd.s32 $0xFFFFC180  }
0x77: {  	_ =	swait.ge [sflag:s20], $0x3E80  }
.Ltmp1:
0x78: {  	[sflag:s20] =	ssyncset.done $0x0;
	(pc) =	sbr.rel @p0 .LBB2_4-.Ltmp1, $4  }
0x79: {  	s23 =	sadd.s32 $0x1480, s24;
	[sflag:s20] =	ssyncadd.s32 $0xFFFFC180  }
0x7a: {  	[spmem:s2] =	stream.indirect.scatter.add.f32 [tilespmem:s18], [sflag:$0x3], $0x80, s23, s16, $0xb8;
	[tilespmem:$0x1E080] =	vst v63  }
0x7b: {  	_ =	swait.ge [sflag:s14], $0x3E80  }
0x7c: {  	s23 =	smov.u32 s25;
	[sflag:s14] =	ssyncset.done $0x0  }
0x7d: {  	s22 =	sshra.s32 s22, $0x2;
	[sflag:s14] =	ssyncadd.s32 $0xFFFFC180  }
0x7e: {  	[tilespmem:s17], [sflag:$0x1] =	stream.indirect.gather [hbm4b:s1+s16], $0x80, s22, s16, $0xb8;
	[tilespmem:$0x1E080] =	vst v63  }
0x7f: {  	s23 =	sadd.s32 $0x80, s22  }
0x80: {  	[tilespmem:s18], [sflag:$0x2] =	stream.indirect.gather [hbm4b:s1+s16], $0x80, s23, s16, $0xb8;
	[tilespmem:$0x1E080] =	vst v63  }
0x81: {  	_ =	swait.ge [sflag:s19], $0x3E80  }
0x82: {  	[sflag:s19] =	ssyncset.done $0x0  }
0x83: {  	s31 =	sadd.s32 $0x1400, s22;
	[sflag:s19] =	ssyncadd.s32 $0xFFFFC180  }
0x84: {  	[spmem:s2] =	stream.indirect.scatter.add.f32 [tilespmem:s17], [sflag:$0x3], $0x80, s31, s16, $0xb8;
	[tilespmem:$0x1E080] =	vst v63  }
0x85: {  	_ =	swait.ge [sflag:s14], $0x3E80  }
0x86: {  	[sflag:s14] =	ssyncset.done $0x0  }
0x87: {  	[sflag:s14] =	ssyncadd.s32 $0xFFFFC180  }
0x88: {  	_ =	swait.ge [sflag:s20], $0x3E80  }
0x89: {  	[sflag:s20] =	ssyncset.done $0x0  }
0x8a: {  	s22 =	sadd.s32 $0x1480, s22;
	[sflag:s20] =	ssyncadd.s32 $0xFFFFC180  }
0x8b: {  	[spmem:s2] =	stream.indirect.scatter.add.f32 [tilespmem:s18], [sflag:$0x3], $0x80, s22, s16, $0xb8;
	[tilespmem:$0x1E080] =	vst v63  }
0x8c: {  	_ =	swait.ge [sflag:s14], $0x3E80  }
0x8d: {  	s21 =	sadd.s32 $0x1, s21;
	[sflag:s14] =	ssyncset.done $0x0  }
0x8e: {  	p0 =	sne.s32 s21, s12;
	[sflag:s14] =	ssyncadd.s32 $0xFFFFC180  }
.Ltmp2:
0x8f: {  	[bflag:$0x0] =	sbarrier.arrive $0xFFFF;
	(pc) =	sbr.rel @p0 .LBB2_1-.Ltmp2, $4  }
0x90: {  	[hbm:s11], [sflag:s6] =	dma.local [spmem:s13], $0x2710  }
0x91: {  	_ =	swait.ge [sflag:s14], $0x2710  }
0x92: {  	[sflag:s14] =	ssyncset.done $0x0  }
0x93: {  	[sflag:s14] =	ssyncadd.s32 $0xFFFFD8F0  }
0x94: {  	_ =	sfence.sel $0x180000  }
0x95: {  	[bflag:$0x0] =	sbarrier.arrive $0xFFFF  }
0x96: {  	p0 =	sne.s32 s3, $0x0;
	_ =	strace $0x9000004D  }
0x97: {  	s0 =	sadd.s32 @!p0 $0x100000, s0;
	[bflag:$0x2] =	sbarrier.arrive $0xFFFF  }
0x98: {  	[sflag:s0] =	ssyncadd.tile.s32 @!p0 $0x1;
	_ =	shalt  }
.Lfunc_end2:
_tile_overlayer_lowered:
.L_overlay_start_2:
0x99: {  	(tag) =	ssettag $0x2  }
0x9a: {  	s0 =	rddreg [dreg:$0x0];
	s2 =	stileid.u32  }
0x9b: {  	s1 =	rddreg [dreg:$0x1];
	p0 =	sne.s32 s2, $0x0  }
0x9c: {  	s3 =	rddreg [dreg:$0x2];
	[bflag:$0x3] =	sbarrier.arrive $0xFFFF;
	s2 =	simm.s32 @!p0 $0x1C03  }
0x9d: {  	[timem:s3], [sflag:s2] =	dma.local @!p0 [hbm:s0], s1  }
0x9e: {  	s0 =	simm.s32 @!p0 $0x3  }
0x9f: {  	_ =	swait.ge @!p0 [sflag:s0], s1  }
0xa0: {  	s1 =	ssub.s32 @!p0 $0x0, s1;
	[sflag:s0] =	ssyncset.done @!p0 $0x0  }
0xa1: {  	[sflag:s0] =	ssyncadd.s32 @!p0 s1  }
0xa2: {  	[bflag:$0x3] =	sbarrier.arrive $0xFFFF  }
0xa3: {  	_ =	shalt  }

// kernel: kernel.8.cloned.1.call-start
scs
__scs_entry_jumppad:
0x0: {  	(pc) =	sbr.rel $0x88, $3  }
0x1: {  	(tag) =	ssettag $0x0;
	lr =	simm.s32 $0x1  }
0x2: {  	[smem:$0x3F9B] =	sst lr;
	_ =	strace $0xD0000000  }
0x3: {  	_ = 	snop  }
0x4: {  	_ = 	snop  }
0x5: {  	_ = 	snop  }
0x6: {  	_ = 	snop  }
0x7: {  	_ = 	snop  }
__scs_overlays_trampoline_lowered:
0x8: {  	[smem:$0x3FAA] =	sst s0  }
0x9: {  	[smem:$0x3FAB] =	sst s1  }
0xa: {  	[smem:$0x3FAC] =	sst s2  }
0xb: {  	[smem:$0x3FAD] =	sst s3  }
0xc: {  	[smem:$0x3FAE] =	sst s4  }
0xd: {  	[smem:$0x3FAF] =	sst s5  }
0xe: {  	[smem:$0x3FB0] =	sst s6  }
0xf: {  	[smem:$0x3FB1] =	sst s7  }
0x10: {  	[smem:$0x3FB2] =	sst s8  }
0x11: {  	[smem:$0x3FB3] =	sst s9;
	s0 =	simm.s32 @!p0 $0x0  }
0x12: {  	s1 =	sld [smem:$0x3F99];
	s0 =	simm.s32 @p0 $0x1  }
0x13: {  	[smem:$0x3FB4] =	sst s0;
	s0 =	simm.s32 @!p1 $0x0  }
0x14: {  	s2 =	sld [smem:$0x3F98];
	s0 =	simm.s32 @p1 $0x1  }
0x15: {  	[smem:$0x3FB5] =	sst s0;
	s0 =	simm.s32 @!p2 $0x0  }
0x16: {  	s3 =	sld [smem:$0x3FDB];
	s0 =	simm.s32 @p2 $0x1  }
0x17: {  	s4 =	simm.s32 $0x1BF5;
	[smem:$0x3FB7] =	sst s0  }
0x18: {  	s0 =	sld [smem:$0x3F9A];
	_ =	swait.ge [sflag:s4], $0x0  }
0x19: {  	s7 =	sld [smem:$0x3F9B]  }
0x1a: {  	s8 =	sadd.s32 $0xFFFFE003, lr  }
0x1b: {  	s9 =	sadd.s32 $0xFFFFFEF7, lr;
	s5 =	simm.s32 $0xFFFFFFFF;
	p2 =	slt.u32 s8, $0xFFFFF086  }
0x1c: {  	p1 =	slt.u32 s9, $0xF7A;
	s5 =	simm.s32 @!p2 $0x0  }
0x1d: {  	s5 =	simm.s32 @p1 $0x1;
	p0 =	seq.s32 s7, s2  }
0x1e: {  	s7 =	smul.u32 @!p0 $0xF7A, s2;
	p2 =	seq.s32 @!p0 s5, $0x0  }
0x1f: {  	s9 =	smul.u32 $0xF7A, s1;
	s8 =	simm.s32 @!p0 $0x1BF5;
	p2 =	por !p2, p0  }
0x20: {  	[sflag:s8] =	ssyncset.s32 @!p0 $0xFFFFF086;
	s6 =	sadd.s32 @!p0 s3, s7;
	s7 =	simm.s32 @!p0 $0x108  }
0x21: {  	s3 =	sadd.s32 s3, s9;
	s6 =	sadd.s32 @!p0 $0x88, s6;
	s7 =	simm.s32 @p2 $0x1082  }
0x22: {  	[simem:s7], [sflag:s8] =	dma.local @!p0 [hbm:s6], $0xF7A  }
0x23: {  	s9 =	sor.u32 $0xD0000000, s2;
	s6 =	simm.s32 $0x108;
	_ =	swait.ge @!p0 [sflag:s8], $0x0  }
0x24: {  	s3 =	sadd.s32 $0x88, s3;
	s6 =	simm.s32 @!p1 $0x1082;
	[sflag:s4] =	ssyncset.s32 $0xFFFFF086  }
0x25: {  	[simem:s6], [sflag:s4] =	dma.local [hbm:s3], $0xF7A  }
0x26: {  	[smem:$0x3F9B] =	sst s1;
	(tag) =	ssettag s2;
	_ =	strace s9  }
0x27: {  	s1 =	sld [smem:$0x3FAB]  }
0x28: {  	s2 =	sld [smem:$0x3FAC]  }
0x29: {  	s4 =	sld [smem:$0x3FAE]  }
0x2a: {  	p0 =	seq.s32 s5, $0x0;
	s5 =	sld [smem:$0x3FAF]  }
0x2b: {  	s6 =	sld [smem:$0x3FB0]  }
0x2c: {  	s7 =	sld [smem:$0x3FB1]  }
0x2d: {  	s3 =	simm.s32 $0x108;
	s8 =	sld [smem:$0x3FB2]  }
0x2e: {  	s3 =	simm.s32 @!p0 $0x1082;
	s9 =	sld [smem:$0x3FB3]  }
0x2f: {  	lr =	sadd.s32 s0, s3;
	s0 =	sld [smem:$0x3FAA]  }
0x30: {  	s3 =	sld [smem:$0x3FAD]  }
0x31: {  	[smem:$0x3FB6] =	sst s10  }
0x32: {  	s10 =	sld [smem:$0x3FB4];
	_ =	sdelay $0x3  }
0x33: {  	p0 =	seq.s32 s10, $0x1;
	s10 =	sld [smem:$0x3FB6];
	_ =	sdelay $0x3  }
0x34: {  	[smem:$0x3FB6] =	sst s10  }
0x35: {  	s10 =	sld [smem:$0x3FB5];
	_ =	sdelay $0x3  }
0x36: {  	p1 =	seq.s32 s10, $0x1;
	s10 =	sld [smem:$0x3FB6];
	_ =	sdelay $0x3  }
0x37: {  	[smem:$0x3FB6] =	sst s10  }
0x38: {  	s10 =	sld [smem:$0x3FB7]  }
0x39: {  	_ = 	snop;
	(pc) =	sbr.ind lr, $3  }
0x3a: {  	_ = 	snop  }
0x3b: {  	_ = 	snop  }
0x3c: {  	p2 =	seq.s32 s10, $0x1;
	s10 =	sld [smem:$0x3FB6]  }
0x3d: {  	_ =	shalt  }
0x3e: {  	_ =	shalt  }
0x3f: {  	_ =	shalt  }
0x40: {  	_ =	shalt  }
0x41: {  	_ =	shalt  }
0x42: {  	_ =	shalt  }
0x43: {  	_ =	shalt  }
0x44: {  	_ =	shalt  }
0x45: {  	_ =	shalt  }
0x46: {  	_ =	shalt  }
0x47: {  	_ =	shalt  }
0x48: {  	_ =	shalt  }
0x49: {  	_ =	shalt  }
0x4a: {  	_ =	shalt  }
0x4b: {  	_ =	shalt  }
0x4c: {  	_ =	shalt  }
0x4d: {  	_ =	shalt  }
0x4e: {  	_ =	shalt  }
0x4f: {  	_ =	shalt  }
0x50: {  	_ =	shalt  }
0x51: {  	_ =	shalt  }
0x52: {  	_ =	shalt  }
0x53: {  	_ =	shalt  }
0x54: {  	_ =	shalt  }
0x55: {  	_ =	shalt  }
0x56: {  	_ =	shalt  }
0x57: {  	_ =	shalt  }
0x58: {  	_ =	shalt  }
0x59: {  	_ =	shalt  }
0x5a: {  	_ =	shalt  }
0x5b: {  	_ =	shalt  }
0x5c: {  	_ =	shalt  }
0x5d: {  	_ =	shalt  }
0x5e: {  	_ =	shalt  }
0x5f: {  	_ =	shalt  }
0x60: {  	_ =	shalt  }
0x61: {  	_ =	shalt  }
0x62: {  	_ =	shalt  }
0x63: {  	_ =	shalt  }
0x64: {  	_ =	shalt  }
0x65: {  	_ =	shalt  }
0x66: {  	_ =	shalt  }
0x67: {  	_ =	shalt  }
0x68: {  	_ =	shalt  }
0x69: {  	_ =	shalt  }
0x6a: {  	_ =	shalt  }
0x6b: {  	_ =	shalt  }
0x6c: {  	_ =	shalt  }
0x6d: {  	_ =	shalt  }
0x6e: {  	_ =	shalt  }
0x6f: {  	_ =	shalt  }
0x70: {  	_ =	shalt  }
0x71: {  	_ =	shalt  }
0x72: {  	_ =	shalt  }
0x73: {  	_ =	shalt  }
0x74: {  	_ =	shalt  }
0x75: {  	_ =	shalt  }
0x76: {  	_ =	shalt  }
0x77: {  	_ =	shalt  }
0x78: {  	_ =	shalt  }
0x79: {  	_ =	shalt  }
0x7a: {  	_ =	shalt  }
0x7b: {  	_ =	shalt  }
0x7c: {  	_ =	shalt  }
0x7d: {  	_ =	shalt  }
0x7e: {  	_ =	shalt  }
0x7f: {  	_ =	shalt  }
0x80: {  	_ =	shalt  }
0x81: {  	_ =	shalt  }
0x82: {  	_ =	shalt  }
0x83: {  	_ =	shalt  }
0x84: {  	_ =	shalt  }
0x85: {  	_ =	shalt  }
0x86: {  	_ =	shalt  }
0x87: {  	_ =	shalt  }
.Lfunc_end0:
.L_simem_size_0:
called_computation_lowered:
.L_overlay_start_0:
0x88: {  	s2 =	sld [smem:$0x3FD9]  }
0x89: {  	s3 =	sld [smem:$0x3FFE];
	_ =	sdelay $0x1  }
0x8a: {  	s1 =	srdreg.scid  }
0x8b: {  	s0 =	sand.u32 $0x1, s1  }
0x8c: {  	s16 =	sshll.u32 s0, $0xA;
	s2 =	sadd.s32 s3, s2  }
0x8d: {  	s2 =	sadd.s32 s2, s16  }
0x8e: {  	[smem:$0x3FC2] =	sst s2  }
0x8f: {  	_ = 	snop  }
0x90: {  	(tm) =	ssettm $0x1  }
0x91: {  	s17 =	sld [smem:$0x3FFB];
	_ =	sdelay $0x3  }
0x92: {  	_ =	strace s17  }
0x93: {  	s2 =	sld [smem:$0x3FFC];
	_ =	sdelay $0x3  }
0x94: {  	_ =	strace s2  }
0x95: {  	s2 =	sld [smem:$0x3FFD];
	_ =	sdelay $0x3  }
0x96: {  	_ =	strace s2  }
0x97: {  	_ =	strace $0x8FFFFFFF  }
0x98: {  	s18 =	sld [smem:$0x3FDB];
	_ =	sdelay $0x1  }
0x99: {  	s19 =	simm.s32 $_scs_section_size  }
0x9a: {  	s4 =	simm.s32 $_size__tile_overlayer_lowered;
	s5 =	simm.s32 $_tile_overlayer_lowered  }
0x9b: {  	s22 =	simm.s32 $0x1BFF;
	s21 =	sshll.u32 s5, $0x1;
	s2 =	sadd.s32 s19, s18  }
0x9c: {  	s6 =	simm.s32 $0x0;
	s20 =	sshll.u32 s4, $0x1;
	s4 =	sadd.s32 s21, s2  }
0x9d: {  	[timem:s6], [sflag:s22] =	dma.local [hbm:s4], s20  }
0x9e: {  	_ =	swait.ge [sflag:s22], s20  }
0x9f: {  	s3 =	ssub.s32 $0x0, s20;
	[sflag:s22] =	ssyncset.done $0x0  }
0xa0: {  	[sflag:s22] =	ssyncadd.s32 s3;
	_ =	sdelay $0x1  }
0xa1: {  	s23 =	simm.s32 $0x1B8B  }
0xa2: {  	_ =	swait.ge [sflag:s23], $0x1  }
0xa3: {  	[sflag:s23] =	ssyncset.done $0x0  }
0xa4: {  	s25 =	simm.s32 $0x1B8E;
	s24 =	sld [smem:$0x3FFE];
	[sflag:s23] =	ssyncadd.s32 $0xFFFFFFFF  }
0xa5: {  	s26 =	simm.s32 $execute0_lowered;
	[smem:$0x3FD2] =	sst s25  }
0xa6: {  	s4 =	sshll.u32 s26, $0x1;
	_ =	strace $0x80000046;
	[dreg:$0x1] =	wrdreg $0xFFFFFFFF  }
0xa7: {  	s28 =	simm.s32 $_size_execute0_lowered;
	s2 =	sadd.s32 s2, s4;
	[dreg:$0x0] =	wrdreg $0x0  }
0xa8: {  	s4 =	sshll.u32 s28, $0x1;
	[dreg:$0x2] =	wrdreg s2  }
0xa9: {  	[dreg:$0x3] =	wrdreg s4  }
0xaa: {  	[dreg:$0x4] =	wrdreg $0xC0  }
0xab: {  	_ =	task [dreg:s6], $0x5FFFF  }
0xac: {  	[dreg:$0x1] =	wrdreg $0xFFFFFFFF  }
0xad: {  	[dreg:$0x0] =	wrdreg $0x60  }
0xae: {  	[dreg:$0x2] =	wrdreg s24  }
0xaf: {  	[dreg:$0x3] =	wrdreg $0x54000  }
0xb0: {  	[dreg:$0x4] =	wrdreg $0x9  }
0xb1: {  	_ =	task.clear_ibuf [dreg:s6], $0x5FFFF;
	_ =	strace $0x90000046  }
0xb2: {  	s29 =	simm.s32 $0x9;
	_ =	strace $0x80000048  }
0xb3: {  	_ =	swait.ge [sflag:s29], $0x1  }
0xb4: {  	[sflag:s29] =	ssyncadd.s32 $0xFFFFFFFF  }
0xb5: {  	_ =	strace $0x90000048  }
0xb6: {  	_ =	sfence  }
0xb7: {  	s30 =	sld [smem:$0x0];
	_ =	sdelay $0x2  }
0xb8: {  	s31 =	sshll.u32 s1, $0xD;
	s1 =	sshrl.u32 s1, $0x2  }
0xb9: {  	s3 =	sand.u32 $0x4000, s31;
	s1 =	sadd.s32 s1, s30  }
0xba: {  	s0 =	sor.u32 s3, s0;
	s1 =	sshll.u32 s1, $0x11  }
0xbb: {  	s0 =	sor.u32 s1, s0  }
0xbc: {  	s0 =	sadd.s32 $0x8F2B, s0  }
0xbd: {  	[sflag:s0] =	ssyncadd.remote.s32 $0x1  }
0xbe: {  	_ =	sfence.sel $0xFFFF  }
0xbf: {  	[dreg:$0x0] =	wrdreg $0xFFFFFFFF;
	(pc) =	sbr.abs _section_cstart, $3  }
0xc0: {  	[dreg:$0x1] =	wrdreg $0xFFFFFFFF  }
0xc1: {  	_ =	task.clear_ibuf [dreg:s6], $0x2FFFF;
	_ =	strace $0x9FFFFFFF  }
0xc2: {  	(tm) =	ssettm $0x7FFFFFFF  }
0xc3: {  	_ =	shalt  }
tec
execute0_lowered:
.L_overlay_start_1:
0x0: {  	(tag) =	ssettag $0x1  }
0x1: {  	s0 =	srdreg.scid;
	s6 =	rddreg [dreg:$0x0]  }
0x2: {  	s2 =	rddreg [dreg:$0x1];
	s5 =	sand.u32 $0x1, s0  }
0x3: {  	s0 =	stileid.u32;
	s7 =	smul.u32 $0x13C000, s5  }
0x4: {  	s3 =	simm.s32 $0x0;
	s13 =	simm.s32 $0x1400;
	s8 =	smul.u32 $0x13C00, s0  }
0x5: {  	[smem:$0x7FF] =	sst s3;
	s1 =	sshll.u32 s5, $0x4;
	s28 =	smul.u32 $0x4E200, s0  }
0x6: {  	s5 =	ssub.s32 $0x2, s5;
	s31 =	sshll.u32 s0, $0x6;
	s1 =	sor.u32 s0, s1  }
0x7: {  	s29 =	sshrl.u32 s5, $0x1;
	s4 =	smul.u32 $0x2800, s1;
	s1 =	rddreg [dreg:$0x2]  }
0x8: {  	_ =	strace $0x80000047;
	s7 =	sadd.s32 s8, s7;
	s30 =	sshrl.u32 s28, $0x2  }
0x9: {  	s11 =	ssub.s32 s5, s29;
	s5 =	sor.u32 $0x1C01, s31;
	s7 =	sshrl.u32 s7, $0x3  }
0xa: {  	s12 =	sadd.s32 s30, s2;
	s4 =	sshrl.u32 s4, $0x3;
	s10 =	sadd.s32 s7, s6  }
0xb: {  	s9 =	sadd.s32 s4, s6;
	s4 =	sadd.s32 $0xC600, s6;
	s8 =	sadd.s32 $0xEE00, s10  }
0xc: {  	s10 =	sshrl.u32 s12, $0x3;
	s12 =	simm.s32 $0x7D;
	s6 =	sadd.s32 $0x2600, s9  }
0xd: {  	v0 =	vimm.f32 $1.000000000e+00;
	s7 =	sadd.s32 $0x2880, s9;
	s9 =	smax.u32 s11, $0x1;
	s11 =	simm.s32 $0x1  }
.LBB2_1:
0xe: {  	[spmem:s10], [sflag:s5] =	dma.local [hbm:s4], $0x2710  }
0xf: {  	_ =	swait.ge [sflag:s11], $0x2710  }
0x10: {  	[sflag:s11] =	ssyncset.done $0x0  }
0x11: {  	s14 =	simm.s32 $0x0;
	s15 =	simm.s32 $0x200;
	[sflag:s11] =	ssyncadd.s32 $0xFFFFD8F0  }
.LBB2_2:
0x12: {  	p0 =	sne.s32 s15, $0xF800;
	[tilespmem:s14+$0x1470] =	vst v0  }
0x13: {  	[tilespmem:s14+$0x1400] =	vst v0  }
0x14: {  	[tilespmem:s14+$0x1410] =	vst v0  }
.Ltmp0:
0x15: {  	[tilespmem:s14+$0x1420] =	vst v0;
	(pc) =	sbr.rel @p0 .LBB2_2-.Ltmp0, $4  }
0x16: {  	[tilespmem:s14+$0x1430] =	vst v0  }
0x17: {  	[tilespmem:s14+$0x1440] =	vst v0  }
0x18: {  	[tilespmem:s14+$0x1450] =	vst v0  }
0x19: {  	[tilespmem:s14+$0x1460] =	vst v0;
	s14 =	sshra.s32 s15, $0x2;
	s15 =	sadd.s32 $0x200, s15  }
0x1a: {  	[tilespmem:s14+$0x1470] =	vst v0  }
0x1b: {  	[tilespmem:s14+$0x1400] =	vst v0  }
0x1c: {  	[tilespmem:s14+$0x1410] =	vst v0  }
0x1d: {  	[tilespmem:s14+$0x1420] =	vst v0  }
0x1e: {  	[tilespmem:s14+$0x1430] =	vst v0  }
0x1f: {  	[tilespmem:s14+$0x1440] =	vst v0  }
0x20: {  	[tilespmem:s14+$0x1450] =	vst v0  }
0x21: {  	[tilespmem:s14+$0x1460] =	vst v0  }
0x22: {  	s30 =	simm.s32 $0x0;
	[bflag:$0x0] =	sbarrier.arrive $0xFFFF  }
0x23: {  	[tilespmem:s30], [sflag:$0x1] =	stream.linear.gather [hbm4b:s6+s30], $0x1400, $0x38;
	[tilespmem:$0x18C80] =	vst v63  }
0x24: {  	_ =	swait.ge [sflag:s11], $0x1400  }
0x25: {  	[sflag:s11] =	ssyncset.done $0x0  }
0x26: {  	s31 =	simm.s32 $0x0;
	[sflag:s11] =	ssyncadd.s32 $0xFFFFEC00  }
0x27: {  	[spmem:s2] =	stream.indirect.scatter.add.f32 [tilespmem:s13], [sflag:$0x1], $0x80, s31, s12, $0xb8;
	[tilespmem:$0x18C80] =	vst v63  }
0x28: {  	_ =	swait.ge [sflag:s11], $0x3E80  }
0x29: {  	s14 =	simm.s32 $0x200;
	[sflag:s11] =	ssyncset.done $0x0  }
.LBB2_4:
0x2a: {  	s15 =	sshra.s32 s14, $0x2;
	[sflag:s11] =	ssyncadd.s32 $0xFFFFC180;
	p0 =	sne.s32 s14, $0x4E00  }
0x2b: {  	[spmem:s2] =	stream.indirect.scatter.add.f32 [tilespmem:s13], [sflag:$0x1], $0x80, s15, s12, $0xb8;
	[tilespmem:$0x18C80] =	vst v63  }
.Ltmp1:
0x2c: {  	_ = 	snop;
	(pc) =	sbr.rel @p0 .LBB2_4-.Ltmp1, $4  }
0x2d: {  	_ = 	snop  }
0x2e: {  	s14 =	sadd.s32 $0x200, s14  }
0x2f: {  	_ =	swait.ge [sflag:s11], $0x3E80  }
0x30: {  	[sflag:s11] =	ssyncset.done $0x0  }
0x31: {  	[sflag:s11] =	ssyncadd.s32 $0xFFFFC180;
	s14 =	simm.s32 $0x0  }
0x32: {  	[tilespmem:s14], [sflag:$0x1] =	stream.linear.gather [hbm4b:s7+s14], $0x1400, $0x38;
	[tilespmem:$0x18C80] =	vst v63  }
0x33: {  	_ =	swait.ge [sflag:s11], $0x1400  }
0x34: {  	[sflag:s11] =	ssyncset.done $0x0  }
0x35: {  	s31 =	simm.s32 $0x0;
	[sflag:s11] =	ssyncadd.s32 $0xFFFFEC00  }
0x36: {  	[spmem:s2] =	stream.indirect.scatter.add.f32 [tilespmem:s13], [sflag:$0x1], $0x80, s31, s12, $0xb8;
	[tilespmem:$0x18C80] =	vst v63  }
0x37: {  	_ =	swait.ge [sflag:s11], $0x3E80  }
0x38: {  	s14 =	simm.s32 $0x200;
	[sflag:s11] =	ssyncset.done $0x0  }
.LBB2_6:
0x39: {  	s15 =	sshra.s32 s14, $0x2;
	[sflag:s11] =	ssyncadd.s32 $0xFFFFC180;
	p0 =	sne.s32 s14, $0x4E00  }
0x3a: {  	[spmem:s2] =	stream.indirect.scatter.add.f32 [tilespmem:s13], [sflag:$0x1], $0x80, s15, s12, $0xb8;
	[tilespmem:$0x18C80] =	vst v63  }
.Ltmp2:
0x3b: {  	_ = 	snop;
	(pc) =	sbr.rel @p0 .LBB2_6-.Ltmp2, $4  }
0x3c: {  	_ = 	snop  }
0x3d: {  	s14 =	sadd.s32 $0x200, s14  }
0x3e: {  	_ =	swait.ge [sflag:s11], $0x3E80  }
0x3f: {  	[sflag:s11] =	ssyncset.done $0x0  }
0x40: {  	s3 =	sadd.s32 $0x1, s3  }
0x41: {  	[sflag:s11] =	ssyncadd.s32 $0xFFFFC180;
	p0 =	sne.s32 s3, s9  }
.Ltmp3:
0x42: {  	[bflag:$0x0] =	sbarrier.arrive $0xFFFF;
	(pc) =	sbr.rel @p0 .LBB2_1-.Ltmp3, $4  }
0x43: {  	[hbm:s8], [sflag:s5] =	dma.local [spmem:s10], $0x2710  }
0x44: {  	_ =	swait.ge [sflag:s11], $0x2710  }
0x45: {  	[sflag:s11] =	ssyncset.done $0x0  }
0x46: {  	[sflag:s11] =	ssyncadd.s32 $0xFFFFD8F0  }
0x47: {  	_ =	sfence.sel $0x180000  }
0x48: {  	[bflag:$0x0] =	sbarrier.arrive $0xFFFF  }
0x49: {  	p0 =	sne.s32 s0, $0x0;
	_ =	strace $0x90000047  }
0x4a: {  	s0 =	sadd.s32 @!p0 $0x100000, s1;
	[bflag:$0x2] =	sbarrier.arrive $0xFFFF  }
0x4b: {  	[sflag:s0] =	ssyncadd.tile.s32 @!p0 $0x1;
	_ =	shalt  }
.Lfunc_end2:
_tile_overlayer_lowered:
.L_overlay_start_2:
0x4c: {  	(tag) =	ssettag $0x2  }
0x4d: {  	s0 =	rddreg [dreg:$0x0];
	s2 =	stileid.u32  }
0x4e: {  	s1 =	rddreg [dreg:$0x1];
	p0 =	sne.s32 s2, $0x0  }
0x4f: {  	s3 =	rddreg [dreg:$0x2];
	[bflag:$0x3] =	sbarrier.arrive $0xFFFF;
	s2 =	simm.s32 @!p0 $0x1C01  }
0x50: {  	[timem:s3], [sflag:s2] =	dma.local @!p0 [hbm:s0], s1  }
0x51: {  	s0 =	simm.s32 @!p0 $0x1  }
0x52: {  	_ =	swait.ge @!p0 [sflag:s0], s1  }
0x53: {  	s1 =	ssub.s32 @!p0 $0x0, s1;
	[sflag:s0] =	ssyncset.done @!p0 $0x0  }
0x54: {  	[sflag:s0] =	ssyncadd.s32 @!p0 s1  }
0x55: {  	[bflag:$0x3] =	sbarrier.arrive $0xFFFF  }
0x56: {  	_ =	shalt  }

</sc_bundles>
